<compile_context>
chip_gen: v7x
topology: tpu7x:2x2x1
jax: 0.10.2.dev20260603
libtpu: 0.0.44.dev20260713+nightly
codegen_flags: <defaults>
</compile_context>

<pallas_src>
import functools

import jax
import jax.numpy as jnp
from jax import lax
from jax.experimental import pallas as pl
from jax.experimental.pallas import tpu as pltpu
from jax.experimental.pallas import tpu_sc as plsc

B, N = 8, 2048
LOCAL_DIM, POINT_DIM, EF_OUT, K = 64, 3, 128, 5
T = 1024
NT = N // T
DP = 128
HB = B // 2
RH = HB * K * N
NC, NS = 2, 16
NW = NC * NS
RPW = RH // NW
CH = 320
NCH = RPW // CH


def _leaky(x):
    return jnp.where(x >= 0, x, 0.01 * x)



def _knn_body(ptile_ref, pts_ref, lf_ref, idx_ref, tbl_ref):
    b = pl.program_id(0)
    ptsT = jnp.transpose(ptile_ref[0], (1, 0))
    pts = pts_ref[0]
    lf_t = jnp.transpose(lf_ref[0], (1, 0))
    tbl_ref[0] = jnp.concatenate(
        [lf_t, ptsT, jnp.zeros((T, DP - LOCAL_DIM - POINT_DIM), jnp.float32)],
        axis=1)
    inner = lax.dot_general(
        ptsT * -2.0, pts, (((1,), (0,)), ((), ())),
        preferred_element_type=jnp.float32)
    xx_r = jnp.sum(ptsT * ptsT, axis=1, keepdims=True)
    xx_c = jnp.sum(pts * pts, axis=0, keepdims=True)
    d = -xx_r - inner - xx_c
    iota = lax.broadcasted_iota(jnp.int32, (T, N), 1).astype(jnp.float32)
    cols = []
    for k in range(K):
        m = jnp.max(d, axis=1, keepdims=True)
        cand = jnp.where(d == m, iota, jnp.float32(N))
        amin = jnp.min(cand, axis=1, keepdims=True)
        cols.append(amin)
        if k < K - 1:
            d = jnp.where(cand == amin, -jnp.inf, d)
    idxs = (jnp.concatenate(cols, axis=1).astype(jnp.int32)
            + b * N)
    idx_ref[0] = jnp.transpose(idxs, (1, 0))


def _knn_topk(points, local_feats, b0):
    return pl.pallas_call(
        _knn_body,
        grid=(HB, NT),
        in_specs=[
            pl.BlockSpec((1, POINT_DIM, T), lambda b, t: (b0 + b, 0, t)),
            pl.BlockSpec((1, POINT_DIM, N), lambda b, t: (b0 + b, 0, 0)),
            pl.BlockSpec((1, LOCAL_DIM, T), lambda b, t: (b0 + b, 0, t)),
        ],
        out_specs=[
            pl.BlockSpec((1, K, T), lambda b, t: (b, 0, t)),
            pl.BlockSpec((1, T, DP), lambda b, t: (b, t, 0)),
        ],
        out_shape=[
            jax.ShapeDtypeStruct((HB, K, N), jnp.int32),
            jax.ShapeDtypeStruct((HB, N, DP), jnp.float32),
        ],
        compiler_params=pltpu.CompilerParams(
            dimension_semantics=("parallel", "parallel")),
    )(points, points, local_feats)



def _gather_rows(table, idx):
    mesh = plsc.VectorSubcoreMesh(core_axis_name="c", subcore_axis_name="s")

    @functools.partial(
        pl.kernel, mesh=mesh,
        out_type=jax.ShapeDtypeStruct((RH, DP), jnp.float32),
        scratch_types=[
            pltpu.VMEM((RPW,), jnp.int32),
            pltpu.VMEM((CH, DP), jnp.float32),
            pltpu.VMEM((CH, DP), jnp.float32),
            pltpu.SemaphoreType.DMA,
            pltpu.SemaphoreType.DMA,
            pltpu.SemaphoreType.DMA,
            pltpu.SemaphoreType.DMA,
        ],
    )
    def k(table_hbm, idx_hbm, out_hbm, idx_v, rows0, rows1,
          gs0, gs1, os0, os1):
        wid = lax.axis_index("s") * NC + lax.axis_index("c")
        base = wid * RPW
        pltpu.sync_copy(idx_hbm.at[pl.ds(base, RPW)], idx_v)
        rows, gsem, osem = [rows0, rows1], [gs0, gs1], [os0, os1]
        gcp, ocp = [None] * NCH, [None] * NCH
        gcp[0] = pltpu.async_copy(
            table_hbm.at[idx_v.at[pl.ds(0, CH)]], rows[0], gsem[0])
        for j in range(NCH):
            b = j % 2
            if j + 1 < NCH:
                if j >= 1:
                    ocp[j - 1].wait()
                gcp[j + 1] = pltpu.async_copy(
                    table_hbm.at[idx_v.at[pl.ds((j + 1) * CH, CH)]],
                    rows[1 - b], gsem[1 - b])
            gcp[j].wait()
            ocp[j] = pltpu.async_copy(
                rows[b], out_hbm.at[pl.ds(base + j * CH, CH)], osem[b])
        if NCH >= 2:
            ocp[NCH - 2].wait()
        ocp[NCH - 1].wait()

    return k(table, idx)



def _head_body(g_ref, tbl_ref, gf_ref,
               w1f_ref, w1x_ref, b1_ref, w2_ref, b2_ref,
               wm1g_ref, wm1l_ref, wm1f_ref, wm1p_ref, bm1_ref,
               wm2_ref, bm2_ref, wm3_ref, bm3_ref, out_ref, gvec_ref):
    t = pl.program_id(1)

    @pl.when(t == 0)
    def _():
        gvec_ref[...] = (
            jnp.dot(gf_ref[0], wm1g_ref[...],
                    preferred_element_type=jnp.float32) + bm1_ref[...])

    g = g_ref[0].reshape(K * T, DP)
    tbl = tbl_ref[0]
    pts = tbl[:, LOCAL_DIM:LOCAL_DIM + POINT_DIM]
    lf = tbl[:, :LOCAL_DIM]
    lfn = g[:, :LOCAL_DIM]
    ptn = g[:, LOCAL_DIM:LOCAL_DIM + POINT_DIM]
    ctr = jnp.concatenate([ptn[:T], jnp.tile(pts, (K - 1, 1))], axis=0)
    xs = ctr - jnp.concatenate(
        [jnp.zeros((T, POINT_DIM), jnp.float32), ptn[T:]], axis=0)
    h1 = (jnp.dot(lfn, w1f_ref[...], preferred_element_type=jnp.float32)
          + jnp.dot(xs, w1x_ref[...], preferred_element_type=jnp.float32)
          + b1_ref[...])
    h1 = _leaky(h1)
    h2 = jnp.dot(h1, w2_ref[...], preferred_element_type=jnp.float32)
    h2max = jnp.maximum(jnp.maximum(jnp.maximum(h2[:T], h2[T:2 * T]),
                                    jnp.maximum(h2[2 * T:3 * T],
                                                h2[3 * T:4 * T])),
                        h2[4 * T:])
    fmax = h2max + b2_ref[...]
    o1 = (gvec_ref[...]
          + jnp.dot(lf, wm1l_ref[...], preferred_element_type=jnp.float32)
          + jnp.dot(fmax, wm1f_ref[...], preferred_element_type=jnp.float32)
          + jnp.dot(pts, wm1p_ref[...], preferred_element_type=jnp.float32))
    o1 = _leaky(o1)
    o2 = _leaky(jnp.dot(o1, wm2_ref[...], preferred_element_type=jnp.float32)
                + bm2_ref[...])
    o3 = (jnp.dot(o2, wm3_ref[...], preferred_element_type=jnp.float32)
          + bm3_ref[...])
    out_ref[0] = jnp.transpose(o3, (1, 0))


def _head(gathered, tbl, gf, w1f, w1x, b1, w2, b2,
          wm1g, wm1l, wm1f, wm1p, bm1, wm2, bm2, wm3, bm3, b0):
    full = lambda shape: pl.BlockSpec(shape, lambda b, t: tuple(0 for _ in shape))
    return pl.pallas_call(
        _head_body,
        grid=(HB, NT),
        in_specs=[
            pl.BlockSpec((1, K, T, DP), lambda b, t: (b, 0, t, 0)),
            pl.BlockSpec((1, T, DP), lambda b, t: (b, t, 0)),
            pl.BlockSpec((1, 1, 1024), lambda b, t: (b0 + b, 0, 0)),
            full((LOCAL_DIM, 256)), full((POINT_DIM, 256)), full((1, 256)),
            full((256, EF_OUT)), full((1, EF_OUT)),
            full((1024, 1024)), full((LOCAL_DIM, 1024)), full((EF_OUT, 1024)),
            full((POINT_DIM, 1024)), full((1, 1024)),
            full((1024, 256)), full((1, 256)), full((256, 1)), full((1, 1)),
        ],
        out_specs=pl.BlockSpec((1, 1, T), lambda b, t: (b, 0, t)),
        out_shape=jax.ShapeDtypeStruct((HB, 1, N), jnp.float32),
        scratch_shapes=[pltpu.VMEM((1, 1024), jnp.float32)],
        compiler_params=pltpu.CompilerParams(
            dimension_semantics=("parallel", "arbitrary")),
    )(gathered, tbl, gf, w1f, w1x, b1, w2, b2,
      wm1g, wm1l, wm1f, wm1p, bm1, wm2, bm2, wm3, bm3)


def kernel(global_feat, points, local_feats, W1, b1, W2, b2,
           Wm1, bm1, Wm2, bm2, Wm3, bm3):
    W1T = W1.T
    Wm1T = Wm1.T
    gf3 = global_feat[:, None, :]
    outs = []
    for b0 in (0, HB):
        idx, table = _knn_topk(points, local_feats, b0)
        gathered = _gather_rows(table.reshape(HB * N, DP),
                                idx.reshape(RH)).reshape(HB, K, N, DP)
        outs.append(_head(
            gathered, table, gf3,
            W1T[:LOCAL_DIM], W1T[LOCAL_DIM:], b1.reshape(1, 256),
            W2.T, b2.reshape(1, EF_OUT),
            Wm1T[:1024], Wm1T[1024:1024 + LOCAL_DIM],
            Wm1T[1024 + LOCAL_DIM:1024 + LOCAL_DIM + EF_OUT],
            Wm1T[1024 + LOCAL_DIM + EF_OUT:], bm1.reshape(1, 1024),
            Wm2.T, bm2.reshape(1, 256), Wm3.T, bm3.reshape(1, 1), b0))
    return jnp.concatenate(outs, axis=0)

# --- scband reference (transcript-rebuilt; emitter-appended) ---
"""Pipeline reference for scband-point-discriminator-11192684774175 (READ-ONLY COPY).

The authoritative reference and input builder live on the scoring server;
editing this copy changes nothing except your own understanding.
"""

import jax, jax.numpy as jnp
import numpy as np

B, N = 8, 2048
GLOBAL_DIM, LOCAL_DIM, POINT_DIM, EF_OUT, PK = 1024, 64, 3, 128, 4


def setup_inputs(seed: int = 0):
    key = jax.random.key(seed)
    ks = jax.random.split(key, 12)
    inp = {}
    inp['global_feat'] = jax.random.normal(ks[0], (B, GLOBAL_DIM), dtype=jnp.float32)
    inp['points'] = jax.random.normal(ks[1], (B, POINT_DIM, N), dtype=jnp.float32)
    inp['local_feats'] = jax.random.normal(ks[2], (B, LOCAL_DIM, N), dtype=jnp.float32)
    c_ef = LOCAL_DIM + POINT_DIM
    inp['W1'] = jax.random.normal(ks[3], (256, c_ef), dtype=jnp.float32) * (1.0 / np.sqrt(c_ef))
    inp['b1'] = jnp.zeros((256,), dtype=jnp.float32)
    inp['W2'] = jax.random.normal(ks[4], (EF_OUT, 256), dtype=jnp.float32) * (1.0 / np.sqrt(256.0))
    inp['b2'] = jnp.zeros((EF_OUT,), dtype=jnp.float32)
    c_mlp = GLOBAL_DIM + LOCAL_DIM + EF_OUT + POINT_DIM
    inp['Wm1'] = jax.random.normal(ks[5], (1024, c_mlp), dtype=jnp.float32) * (1.0 / np.sqrt(c_mlp))
    inp['bm1'] = jnp.zeros((1024,), dtype=jnp.float32)
    inp['Wm2'] = jax.random.normal(ks[6], (256, 1024), dtype=jnp.float32) * (1.0 / np.sqrt(1024.0))
    inp['bm2'] = jnp.zeros((256,), dtype=jnp.float32)
    inp['Wm3'] = jax.random.normal(ks[7], (1, 256), dtype=jnp.float32) * (1.0 / np.sqrt(256.0))
    inp['bm3'] = jnp.zeros((1,), dtype=jnp.float32)
    return inp


def leaky_relu(x):
    return jnp.where(x >= 0, x, 0.01 * x)


def knn(x, k):
    # x: [B, C, N] -> idx [B, N, k] of nearest neighbors (self included as idx 0)
    inner = -2.0 * jnp.einsum('bcn,bcm->bnm', x, x)
    xx = jnp.sum(x * x, axis=1)  # [B, N]
    pairwise = -xx[:, :, None] - inner - xx[:, None, :]
    _, idx = jax.lax.top_k(pairwise, k)
    return idx


def get_edge_features(x, idx):
    # x: [B, C, N], idx: [B, N, K] -> [B, C, K, N]
    b = jnp.arange(x.shape[0])[:, None, None]
    nb = x[b, :, idx]  # [B, N, K, C]
    return jnp.transpose(nb, (0, 3, 2, 1))


def reference(global_feat, points, local_feats, W1, b1, W2, b2, Wm1, bm1, Wm2, bm2, Wm3, bm3):
    idx = knn(points, PK + 1)
    x_knn = get_edge_features(points, idx)        # [B, 3, K, N]
    f_knn = get_edge_features(local_feats, idx)   # [B, LOCAL_DIM, K, N]
    # minus_xyz_center=True (default), minus_feat_center=False (default)
    x_knn = x_knn.at[:, :, 1:, :].set(points[:, :, None, :] - x_knn[:, :, 1:, :])
    # with_xyz=True
    f = jnp.concatenate([f_knn, x_knn], axis=1)
    h = jnp.einsum('bckn,oc->bokn', f, W1) + b1[None, :, None, None]
    h = leaky_relu(h)
    h = jnp.einsum('bckn,oc->bokn', h, W2) + b2[None, :, None, None]
    fmax = jnp.max(h, axis=2)  # [B, EF_OUT, N]
    gf = jnp.repeat(global_feat[:, :, None], points.shape[2], axis=2)
    feat = jnp.concatenate([gf, local_feats, fmax, points], axis=1)
    o = jnp.einsum('bcn,oc->bon', feat, Wm1) + bm1[None, :, None]
    o = leaky_relu(o)
    o = jnp.einsum('bcn,oc->bon', o, Wm2) + bm2[None, :, None]
    o = leaky_relu(o)
    o = jnp.einsum('bcn,oc->bon', o, Wm3) + bm3[None, :, None]
    return o

if __name__ == "__main__":
    import jax
    _d = setup_inputs()
    print(jax.jit(kernel)(*tuple(_d.values())))

</pallas_src>

<mosaic_0001>
#map = affine_map<(d0, d1) -> (0, 0)>
#map1 = affine_map<(d0, d1) -> (0)>
module attributes {stable_mosaic.version = 14 : i64} {
  func.func @k(%arg0: i32, %arg1: i32, %arg2: memref<8192x128xf32, #tpu.memory_space<hbm>>, %arg3: memref<40960xi32, #tpu.memory_space<hbm>>, %arg4: memref<40960x128xf32, #tpu.memory_space<hbm>>, %arg5: memref<1280xi32, #tpu.memory_space<vmem>>, %arg6: memref<320x128xf32, #tpu.memory_space<vmem>>, %arg7: memref<320x128xf32, #tpu.memory_space<vmem>>, %arg8: memref<!tpu.dma_semaphore, #tpu.memory_space<semaphore_mem>>, %arg9: memref<!tpu.dma_semaphore, #tpu.memory_space<semaphore_mem>>, %arg10: memref<!tpu.dma_semaphore, #tpu.memory_space<semaphore_mem>>, %arg11: memref<!tpu.dma_semaphore, #tpu.memory_space<semaphore_mem>>) attributes {dimension_semantics = [#tpu.dimension_semantics<core_parallel>, #tpu.dimension_semantics<subcore_parallel>], iteration_bounds = array<i64: 2, 16>, scalar_prefetch = 0 : i64, scratch_operands = 7 : i64, tpu.core_type = #tpu.core_type<sc_vector_subcore>, window_params = [{transform_indices = #map}, {transform_indices = #map1}, {transform_indices = #map}]} {
    %mul3A = arith.constant 2 : i32
    %mul3A_0 = arith.muli %arg1, %mul3A : i32
    %add3A = arith.addi %mul3A_0, %arg0 : i32
    %mul3A_1 = arith.constant 1280 : i32
    %mul3A_2 = arith.muli %add3A, %mul3A_1 : i32
    "tpu.region"() ({
      %run_scoped3A = tpu.sem_alloc : memref<!tpu.dma_semaphore, #tpu.memory_space<semaphore_mem>>
      %dma_start3A_81 = tpu.memref_slice %arg3[%mul3A_2] : memref<40960xi32, #tpu.memory_space<hbm>> -> memref<1280xi32, #tpu.memory_space<hbm>>
      %dma_start3A_82 = tpu.memref_slice %arg3[%mul3A_2] : memref<40960xi32, #tpu.memory_space<hbm>> -> memref<1280xi32, #tpu.memory_space<hbm>>
      tpu.enqueue_dma source(%dma_start3A_82 : memref<1280xi32, #tpu.memory_space<hbm>>) target(%arg5 : memref<1280xi32, #tpu.memory_space<vmem>>) target_semaphore(%run_scoped3A : memref<!tpu.dma_semaphore, #tpu.memory_space<semaphore_mem>>)
      %dma_wait3A_83 = tpu.memref_slice %arg3[%mul3A_2] : memref<40960xi32, #tpu.memory_space<hbm>> -> memref<1280xi32, #tpu.memory_space<hbm>>
      %dma_wait3A_84 = tpu.memref_slice %arg3[%mul3A_2] : memref<40960xi32, #tpu.memory_space<hbm>> -> memref<1280xi32, #tpu.memory_space<hbm>>
      tpu.wait_dma2 semaphore(%run_scoped3A : memref<!tpu.dma_semaphore, #tpu.memory_space<semaphore_mem>>) src(%dma_wait3A_84 : memref<1280xi32, #tpu.memory_space<hbm>>) dst(%arg5 : memref<1280xi32, #tpu.memory_space<vmem>>)
      tpu.yield
    }) : () -> ()
    %dma_start3A = arith.constant 0 : i32
    %dma_start3A_3 = tpu.memref_slice %arg5[%dma_start3A] : memref<1280xi32, #tpu.memory_space<vmem>> -> memref<320xi32, #tpu.memory_space<vmem>>
    %dma_start3A_4 = arith.constant 0 : i32
    %dma_start3A_5 = arith.constant 0 : i32
    %dma_start3A_6 = tpu.memref_slice %arg2[%dma_start3A_4, %dma_start3A_5] : memref<8192x128xf32, #tpu.memory_space<hbm>> -> memref<8192x128xf32, #tpu.memory_space<hbm>>
    tpu.enqueue_indirect_dma source(%dma_start3A_6 : memref<8192x128xf32, #tpu.memory_space<hbm>>) target(%arg6 : memref<320x128xf32, #tpu.memory_space<vmem>>) offsets(%dma_start3A_3 : memref<320xi32, #tpu.memory_space<vmem>>) semaphore(%arg8 : memref<!tpu.dma_semaphore, #tpu.memory_space<semaphore_mem>>)
    %dma_start3A_7 = arith.constant 320 : i32
    %dma_start3A_8 = tpu.memref_slice %arg5[%dma_start3A_7] : memref<1280xi32, #tpu.memory_space<vmem>> -> memref<320xi32, #tpu.memory_space<vmem>>
    %dma_start3A_9 = arith.constant 0 : i32
    %dma_start3A_10 = arith.constant 0 : i32
    %dma_start3A_11 = tpu.memref_slice %arg2[%dma_start3A_9, %dma_start3A_10] : memref<8192x128xf32, #tpu.memory_space<hbm>> -> memref<8192x128xf32, #tpu.memory_space<hbm>>
    tpu.enqueue_indirect_dma source(%dma_start3A_11 : memref<8192x128xf32, #tpu.memory_space<hbm>>) target(%arg7 : memref<320x128xf32, #tpu.memory_space<vmem>>) offsets(%dma_start3A_8 : memref<320xi32, #tpu.memory_space<vmem>>) semaphore(%arg9 : memref<!tpu.dma_semaphore, #tpu.memory_space<semaphore_mem>>)
    %dma_wait3A = arith.constant 0 : i32
    %dma_wait3A_12 = tpu.memref_slice %arg5[%dma_wait3A] : memref<1280xi32, #tpu.memory_space<vmem>> -> memref<320xi32, #tpu.memory_space<vmem>>
    %dma_wait3A_13 = arith.constant 0 : i32
    %dma_wait3A_14 = arith.constant 0 : i32
    %dma_wait3A_15 = tpu.memref_slice %arg2[%dma_wait3A_13, %dma_wait3A_14] : memref<8192x128xf32, #tpu.memory_space<hbm>> -> memref<8192x128xf32, #tpu.memory_space<hbm>>
    tpu.wait_indirect_dma semaphore(%arg8 : memref<!tpu.dma_semaphore, #tpu.memory_space<semaphore_mem>>) src(%dma_wait3A_15 : memref<8192x128xf32, #tpu.memory_space<hbm>>) dst(%arg6 : memref<320x128xf32, #tpu.memory_space<vmem>>)
    %add3A_16 = arith.constant 0 : i32
    %add3A_17 = arith.addi %mul3A_2, %add3A_16 : i32
    %dma_start3A_18 = arith.constant 0 : i32
    %dma_start3A_19 = tpu.memref_slice %arg4[%add3A_17, %dma_start3A_18] : memref<40960x128xf32, #tpu.memory_space<hbm>> -> memref<320x128xf32, #tpu.memory_space<hbm>>
    %dma_start3A_20 = arith.constant 0 : i32
    %dma_start3A_21 = tpu.memref_slice %arg4[%add3A_17, %dma_start3A_20] : memref<40960x128xf32, #tpu.memory_space<hbm>> -> memref<320x128xf32, #tpu.memory_space<hbm>>
    tpu.enqueue_dma source(%arg6 : memref<320x128xf32, #tpu.memory_space<vmem>>) target(%dma_start3A_21 : memref<320x128xf32, #tpu.memory_space<hbm>>) target_semaphore(%arg10 : memref<!tpu.dma_semaphore, #tpu.memory_space<semaphore_mem>>)
    %dma_wait3A_22 = arith.constant 0 : i32
    %dma_wait3A_23 = tpu.memref_slice %arg4[%add3A_17, %dma_wait3A_22] : memref<40960x128xf32, #tpu.memory_space<hbm>> -> memref<320x128xf32, #tpu.memory_space<hbm>>
    %dma_wait3A_24 = arith.constant 0 : i32
    %dma_wait3A_25 = tpu.memref_slice %arg4[%add3A_17, %dma_wait3A_24] : memref<40960x128xf32, #tpu.memory_space<hbm>> -> memref<320x128xf32, #tpu.memory_space<hbm>>
    tpu.wait_dma2 semaphore(%arg10 : memref<!tpu.dma_semaphore, #tpu.memory_space<semaphore_mem>>) src(%arg6 : memref<320x128xf32, #tpu.memory_space<vmem>>) dst(%dma_wait3A_25 : memref<320x128xf32, #tpu.memory_space<hbm>>)
    %dma_start3A_26 = arith.constant 640 : i32
    %dma_start3A_27 = tpu.memref_slice %arg5[%dma_start3A_26] : memref<1280xi32, #tpu.memory_space<vmem>> -> memref<320xi32, #tpu.memory_space<vmem>>
    %dma_start3A_28 = arith.constant 0 : i32
    %dma_start3A_29 = arith.constant 0 : i32
    %dma_start3A_30 = tpu.memref_slice %arg2[%dma_start3A_28, %dma_start3A_29] : memref<8192x128xf32, #tpu.memory_space<hbm>> -> memref<8192x128xf32, #tpu.memory_space<hbm>>
    tpu.enqueue_indirect_dma source(%dma_start3A_30 : memref<8192x128xf32, #tpu.memory_space<hbm>>) target(%arg6 : memref<320x128xf32, #tpu.memory_space<vmem>>) offsets(%dma_start3A_27 : memref<320xi32, #tpu.memory_space<vmem>>) semaphore(%arg8 : memref<!tpu.dma_semaphore, #tpu.memory_space<semaphore_mem>>)
    %dma_wait3A_31 = arith.constant 320 : i32
    %dma_wait3A_32 = tpu.memref_slice %arg5[%dma_wait3A_31] : memref<1280xi32, #tpu.memory_space<vmem>> -> memref<320xi32, #tpu.memory_space<vmem>>
    %dma_wait3A_33 = arith.constant 0 : i32
    %dma_wait3A_34 = arith.constant 0 : i32
    %dma_wait3A_35 = tpu.memref_slice %arg2[%dma_wait3A_33, %dma_wait3A_34] : memref<8192x128xf32, #tpu.memory_space<hbm>> -> memref<8192x128xf32, #tpu.memory_space<hbm>>
    tpu.wait_indirect_dma semaphore(%arg9 : memref<!tpu.dma_semaphore, #tpu.memory_space<semaphore_mem>>) src(%dma_wait3A_35 : memref<8192x128xf32, #tpu.memory_space<hbm>>) dst(%arg7 : memref<320x128xf32, #tpu.memory_space<vmem>>)
    %add3A_36 = arith.constant 320 : i32
    %add3A_37 = arith.addi %mul3A_2, %add3A_36 : i32
    %dma_start3A_38 = arith.constant 0 : i32
    %dma_start3A_39 = tpu.memref_slice %arg4[%add3A_37, %dma_start3A_38] : memref<40960x128xf32, #tpu.memory_space<hbm>> -> memref<320x128xf32, #tpu.memory_space<hbm>>
    %dma_start3A_40 = arith.constant 0 : i32
    %dma_start3A_41 = tpu.memref_slice %arg4[%add3A_37, %dma_start3A_40] : memref<40960x128xf32, #tpu.memory_space<hbm>> -> memref<320x128xf32, #tpu.memory_space<hbm>>
    tpu.enqueue_dma source(%arg7 : memref<320x128xf32, #tpu.memory_space<vmem>>) target(%dma_start3A_41 : memref<320x128xf32, #tpu.memory_space<hbm>>) target_semaphore(%arg11 : memref<!tpu.dma_semaphore, #tpu.memory_space<semaphore_mem>>)
    %dma_wait3A_42 = arith.constant 0 : i32
    %dma_wait3A_43 = tpu.memref_slice %arg4[%add3A_37, %dma_wait3A_42] : memref<40960x128xf32, #tpu.memory_space<hbm>> -> memref<320x128xf32, #tpu.memory_space<hbm>>
    %dma_wait3A_44 = arith.constant 0 : i32
    %dma_wait3A_45 = tpu.memref_slice %arg4[%add3A_37, %dma_wait3A_44] : memref<40960x128xf32, #tpu.memory_space<hbm>> -> memref<320x128xf32, #tpu.memory_space<hbm>>
    tpu.wait_dma2 semaphore(%arg11 : memref<!tpu.dma_semaphore, #tpu.memory_space<semaphore_mem>>) src(%arg7 : memref<320x128xf32, #tpu.memory_space<vmem>>) dst(%dma_wait3A_45 : memref<320x128xf32, #tpu.memory_space<hbm>>)
    %dma_start3A_46 = arith.constant 960 : i32
    %dma_start3A_47 = tpu.memref_slice %arg5[%dma_start3A_46] : memref<1280xi32, #tpu.memory_space<vmem>> -> memref<320xi32, #tpu.memory_space<vmem>>
    %dma_start3A_48 = arith.constant 0 : i32
    %dma_start3A_49 = arith.constant 0 : i32
    %dma_start3A_50 = tpu.memref_slice %arg2[%dma_start3A_48, %dma_start3A_49] : memref<8192x128xf32, #tpu.memory_space<hbm>> -> memref<8192x128xf32, #tpu.memory_space<hbm>>
    tpu.enqueue_indirect_dma source(%dma_start3A_50 : memref<8192x128xf32, #tpu.memory_space<hbm>>) target(%arg7 : memref<320x128xf32, #tpu.memory_space<vmem>>) offsets(%dma_start3A_47 : memref<320xi32, #tpu.memory_space<vmem>>) semaphore(%arg9 : memref<!tpu.dma_semaphore, #tpu.memory_space<semaphore_mem>>)
    %dma_wait3A_51 = arith.constant 640 : i32
    %dma_wait3A_52 = tpu.memref_slice %arg5[%dma_wait3A_51] : memref<1280xi32, #tpu.memory_space<vmem>> -> memref<320xi32, #tpu.memory_space<vmem>>
    %dma_wait3A_53 = arith.constant 0 : i32
    %dma_wait3A_54 = arith.constant 0 : i32
    %dma_wait3A_55 = tpu.memref_slice %arg2[%dma_wait3A_53, %dma_wait3A_54] : memref<8192x128xf32, #tpu.memory_space<hbm>> -> memref<8192x128xf32, #tpu.memory_space<hbm>>
    tpu.wait_indirect_dma semaphore(%arg8 : memref<!tpu.dma_semaphore, #tpu.memory_space<semaphore_mem>>) src(%dma_wait3A_55 : memref<8192x128xf32, #tpu.memory_space<hbm>>) dst(%arg6 : memref<320x128xf32, #tpu.memory_space<vmem>>)
    %add3A_56 = arith.constant 640 : i32
    %add3A_57 = arith.addi %mul3A_2, %add3A_56 : i32
    %dma_start3A_58 = arith.constant 0 : i32
    %dma_start3A_59 = tpu.memref_slice %arg4[%add3A_57, %dma_start3A_58] : memref<40960x128xf32, #tpu.memory_space<hbm>> -> memref<320x128xf32, #tpu.memory_space<hbm>>
    %dma_start3A_60 = arith.constant 0 : i32
    %dma_start3A_61 = tpu.memref_slice %arg4[%add3A_57, %dma_start3A_60] : memref<40960x128xf32, #tpu.memory_space<hbm>> -> memref<320x128xf32, #tpu.memory_space<hbm>>
    tpu.enqueue_dma source(%arg6 : memref<320x128xf32, #tpu.memory_space<vmem>>) target(%dma_start3A_61 : memref<320x128xf32, #tpu.memory_space<hbm>>) target_semaphore(%arg10 : memref<!tpu.dma_semaphore, #tpu.memory_space<semaphore_mem>>)
    %dma_wait3A_62 = arith.constant 960 : i32
    %dma_wait3A_63 = tpu.memref_slice %arg5[%dma_wait3A_62] : memref<1280xi32, #tpu.memory_space<vmem>> -> memref<320xi32, #tpu.memory_space<vmem>>
    %dma_wait3A_64 = arith.constant 0 : i32
    %dma_wait3A_65 = arith.constant 0 : i32
    %dma_wait3A_66 = tpu.memref_slice %arg2[%dma_wait3A_64, %dma_wait3A_65] : memref<8192x128xf32, #tpu.memory_space<hbm>> -> memref<8192x128xf32, #tpu.memory_space<hbm>>
    tpu.wait_indirect_dma semaphore(%arg9 : memref<!tpu.dma_semaphore, #tpu.memory_space<semaphore_mem>>) src(%dma_wait3A_66 : memref<8192x128xf32, #tpu.memory_space<hbm>>) dst(%arg7 : memref<320x128xf32, #tpu.memory_space<vmem>>)
    %add3A_67 = arith.constant 960 : i32
    %add3A_68 = arith.addi %mul3A_2, %add3A_67 : i32
    %dma_start3A_69 = arith.constant 0 : i32
    %dma_start3A_70 = tpu.memref_slice %arg4[%add3A_68, %dma_start3A_69] : memref<40960x128xf32, #tpu.memory_space<hbm>> -> memref<320x128xf32, #tpu.memory_space<hbm>>
    %dma_start3A_71 = arith.constant 0 : i32
    %dma_start3A_72 = tpu.memref_slice %arg4[%add3A_68, %dma_start3A_71] : memref<40960x128xf32, #tpu.memory_space<hbm>> -> memref<320x128xf32, #tpu.memory_space<hbm>>
    tpu.enqueue_dma source(%arg7 : memref<320x128xf32, #tpu.memory_space<vmem>>) target(%dma_start3A_72 : memref<320x128xf32, #tpu.memory_space<hbm>>) target_semaphore(%arg11 : memref<!tpu.dma_semaphore, #tpu.memory_space<semaphore_mem>>)
    %dma_wait3A_73 = arith.constant 0 : i32
    %dma_wait3A_74 = tpu.memref_slice %arg4[%add3A_57, %dma_wait3A_73] : memref<40960x128xf32, #tpu.memory_space<hbm>> -> memref<320x128xf32, #tpu.memory_space<hbm>>
    %dma_wait3A_75 = arith.constant 0 : i32
    %dma_wait3A_76 = tpu.memref_slice %arg4[%add3A_57, %dma_wait3A_75] : memref<40960x128xf32, #tpu.memory_space<hbm>> -> memref<320x128xf32, #tpu.memory_space<hbm>>
    tpu.wait_dma2 semaphore(%arg10 : memref<!tpu.dma_semaphore, #tpu.memory_space<semaphore_mem>>) src(%arg6 : memref<320x128xf32, #tpu.memory_space<vmem>>) dst(%dma_wait3A_76 : memref<320x128xf32, #tpu.memory_space<hbm>>)
    %dma_wait3A_77 = arith.constant 0 : i32
    %dma_wait3A_78 = tpu.memref_slice %arg4[%add3A_68, %dma_wait3A_77] : memref<40960x128xf32, #tpu.memory_space<hbm>> -> memref<320x128xf32, #tpu.memory_space<hbm>>
    %dma_wait3A_79 = arith.constant 0 : i32
    %dma_wait3A_80 = tpu.memref_slice %arg4[%add3A_68, %dma_wait3A_79] : memref<40960x128xf32, #tpu.memory_space<hbm>> -> memref<320x128xf32, #tpu.memory_space<hbm>>
    tpu.wait_dma2 semaphore(%arg11 : memref<!tpu.dma_semaphore, #tpu.memory_space<semaphore_mem>>) src(%arg7 : memref<320x128xf32, #tpu.memory_space<vmem>>) dst(%dma_wait3A_80 : memref<320x128xf32, #tpu.memory_space<hbm>>)
    return
  }
}

#map = affine_map<(d0, d1) -> (0, 0)>
#map1 = affine_map<(d0, d1) -> (0)>
module attributes {stable_mosaic.version = 14 : i64} {
  func.func @k(%arg0: i32, %arg1: i32, %arg2: memref<8192x128xf32, #tpu.memory_space<hbm>>, %arg3: memref<40960xi32, #tpu.memory_space<hbm>>, %arg4: memref<40960x128xf32, #tpu.memory_space<hbm>>, %arg5: memref<1280xi32, #tpu.memory_space<vmem>>, %arg6: memref<320x128xf32, #tpu.memory_space<vmem>>, %arg7: memref<320x128xf32, #tpu.memory_space<vmem>>, %arg8: memref<!tpu.dma_semaphore, #tpu.memory_space<semaphore_mem>>, %arg9: memref<!tpu.dma_semaphore, #tpu.memory_space<semaphore_mem>>, %arg10: memref<!tpu.dma_semaphore, #tpu.memory_space<semaphore_mem>>, %arg11: memref<!tpu.dma_semaphore, #tpu.memory_space<semaphore_mem>>) attributes {dimension_semantics = [#tpu.dimension_semantics<core_parallel>, #tpu.dimension_semantics<subcore_parallel>], iteration_bounds = array<i64: 2, 16>, scalar_prefetch = 0 : i64, scratch_operands = 7 : i64, tpu.core_type = #tpu.core_type<sc_vector_subcore>, window_params = [{transform_indices = #map}, {transform_indices = #map1}, {transform_indices = #map}]} {
    %mul3A = arith.constant 2 : i32
    %mul3A_0 = arith.muli %arg1, %mul3A : i32
    %add3A = arith.addi %mul3A_0, %arg0 : i32
    %mul3A_1 = arith.constant 1280 : i32
    %mul3A_2 = arith.muli %add3A, %mul3A_1 : i32
    "tpu.region"() ({
      %run_scoped3A = tpu.sem_alloc : memref<!tpu.dma_semaphore, #tpu.memory_space<semaphore_mem>>
      %dma_start3A_81 = tpu.memref_slice %arg3[%mul3A_2] : memref<40960xi32, #tpu.memory_space<hbm>> -> memref<1280xi32, #tpu.memory_space<hbm>>
      %dma_start3A_82 = tpu.memref_slice %arg3[%mul3A_2] : memref<40960xi32, #tpu.memory_space<hbm>> -> memref<1280xi32, #tpu.memory_space<hbm>>
      tpu.enqueue_dma source(%dma_start3A_82 : memref<1280xi32, #tpu.memory_space<hbm>>) target(%arg5 : memref<1280xi32, #tpu.memory_space<vmem>>) target_semaphore(%run_scoped3A : memref<!tpu.dma_semaphore, #tpu.memory_space<semaphore_mem>>)
      %dma_wait3A_83 = tpu.memref_slice %arg3[%mul3A_2] : memref<40960xi32, #tpu.memory_space<hbm>> -> memref<1280xi32, #tpu.memory_space<hbm>>
      %dma_wait3A_84 = tpu.memref_slice %arg3[%mul3A_2] : memref<40960xi32, #tpu.memory_space<hbm>> -> memref<1280xi32, #tpu.memory_space<hbm>>
      tpu.wait_dma2 semaphore(%run_scoped3A : memref<!tpu.dma_semaphore, #tpu.memory_space<semaphore_mem>>) src(%dma_wait3A_84 : memref<1280xi32, #tpu.memory_space<hbm>>) dst(%arg5 : memref<1280xi32, #tpu.memory_space<vmem>>)
      tpu.yield
    }) : () -> ()
    %dma_start3A = arith.constant 0 : i32
    %dma_start3A_3 = tpu.memref_slice %arg5[%dma_start3A] : memref<1280xi32, #tpu.memory_space<vmem>> -> memref<320xi32, #tpu.memory_space<vmem>>
    %dma_start3A_4 = arith.constant 0 : i32
    %dma_start3A_5 = arith.constant 0 : i32
    %dma_start3A_6 = tpu.memref_slice %arg2[%dma_start3A_4, %dma_start3A_5] : memref<8192x128xf32, #tpu.memory_space<hbm>> -> memref<8192x128xf32, #tpu.memory_space<hbm>>
    tpu.enqueue_indirect_dma source(%dma_start3A_6 : memref<8192x128xf32, #tpu.memory_space<hbm>>) target(%arg6 : memref<320x128xf32, #tpu.memory_space<vmem>>) offsets(%dma_start3A_3 : memref<320xi32, #tpu.memory_space<vmem>>) semaphore(%arg8 : memref<!tpu.dma_semaphore, #tpu.memory_space<semaphore_mem>>)
    %dma_start3A_7 = arith.constant 320 : i32
    %dma_start3A_8 = tpu.memref_slice %arg5[%dma_start3A_7] : memref<1280xi32, #tpu.memory_space<vmem>> -> memref<320xi32, #tpu.memory_space<vmem>>
    %dma_start3A_9 = arith.constant 0 : i32
    %dma_start3A_10 = arith.constant 0 : i32
    %dma_start3A_11 = tpu.memref_slice %arg2[%dma_start3A_9, %dma_start3A_10] : memref<8192x128xf32, #tpu.memory_space<hbm>> -> memref<8192x128xf32, #tpu.memory_space<hbm>>
    tpu.enqueue_indirect_dma source(%dma_start3A_11 : memref<8192x128xf32, #tpu.memory_space<hbm>>) target(%arg7 : memref<320x128xf32, #tpu.memory_space<vmem>>) offsets(%dma_start3A_8 : memref<320xi32, #tpu.memory_space<vmem>>) semaphore(%arg9 : memref<!tpu.dma_semaphore, #tpu.memory_space<semaphore_mem>>)
    %dma_wait3A = arith.constant 0 : i32
    %dma_wait3A_12 = tpu.memref_slice %arg5[%dma_wait3A] : memref<1280xi32, #tpu.memory_space<vmem>> -> memref<320xi32, #tpu.memory_space<vmem>>
    %dma_wait3A_13 = arith.constant 0 : i32
    %dma_wait3A_14 = arith.constant 0 : i32
    %dma_wait3A_15 = tpu.memref_slice %arg2[%dma_wait3A_13, %dma_wait3A_14] : memref<8192x128xf32, #tpu.memory_space<hbm>> -> memref<8192x128xf32, #tpu.memory_space<hbm>>
    tpu.wait_indirect_dma semaphore(%arg8 : memref<!tpu.dma_semaphore, #tpu.memory_space<semaphore_mem>>) src(%dma_wait3A_15 : memref<8192x128xf32, #tpu.memory_space<hbm>>) dst(%arg6 : memref<320x128xf32, #tpu.memory_space<vmem>>)
    %add3A_16 = arith.constant 0 : i32
    %add3A_17 = arith.addi %mul3A_2, %add3A_16 : i32
    %dma_start3A_18 = arith.constant 0 : i32
    %dma_start3A_19 = tpu.memref_slice %arg4[%add3A_17, %dma_start3A_18] : memref<40960x128xf32, #tpu.memory_space<hbm>> -> memref<320x128xf32, #tpu.memory_space<hbm>>
    %dma_start3A_20 = arith.constant 0 : i32
    %dma_start3A_21 = tpu.memref_slice %arg4[%add3A_17, %dma_start3A_20] : memref<40960x128xf32, #tpu.memory_space<hbm>> -> memref<320x128xf32, #tpu.memory_space<hbm>>
    tpu.enqueue_dma source(%arg6 : memref<320x128xf32, #tpu.memory_space<vmem>>) target(%dma_start3A_21 : memref<320x128xf32, #tpu.memory_space<hbm>>) target_semaphore(%arg10 : memref<!tpu.dma_semaphore, #tpu.memory_space<semaphore_mem>>)
    %dma_wait3A_22 = arith.constant 0 : i32
    %dma_wait3A_23 = tpu.memref_slice %arg4[%add3A_17, %dma_wait3A_22] : memref<40960x128xf32, #tpu.memory_space<hbm>> -> memref<320x128xf32, #tpu.memory_space<hbm>>
    %dma_wait3A_24 = arith.constant 0 : i32
    %dma_wait3A_25 = tpu.memref_slice %arg4[%add3A_17, %dma_wait3A_24] : memref<40960x128xf32, #tpu.memory_space<hbm>> -> memref<320x128xf32, #tpu.memory_space<hbm>>
    tpu.wait_dma2 semaphore(%arg10 : memref<!tpu.dma_semaphore, #tpu.memory_space<semaphore_mem>>) src(%arg6 : memref<320x128xf32, #tpu.memory_space<vmem>>) dst(%dma_wait3A_25 : memref<320x128xf32, #tpu.memory_space<hbm>>)
    %dma_start3A_26 = arith.constant 640 : i32
    %dma_start3A_27 = tpu.memref_slice %arg5[%dma_start3A_26] : memref<1280xi32, #tpu.memory_space<vmem>> -> memref<320xi32, #tpu.memory_space<vmem>>
    %dma_start3A_28 = arith.constant 0 : i32
    %dma_start3A_29 = arith.constant 0 : i32
    %dma_start3A_30 = tpu.memref_slice %arg2[%dma_start3A_28, %dma_start3A_29] : memref<8192x128xf32, #tpu.memory_space<hbm>> -> memref<8192x128xf32, #tpu.memory_space<hbm>>
    tpu.enqueue_indirect_dma source(%dma_start3A_30 : memref<8192x128xf32, #tpu.memory_space<hbm>>) target(%arg6 : memref<320x128xf32, #tpu.memory_space<vmem>>) offsets(%dma_start3A_27 : memref<320xi32, #tpu.memory_space<vmem>>) semaphore(%arg8 : memref<!tpu.dma_semaphore, #tpu.memory_space<semaphore_mem>>)
    %dma_wait3A_31 = arith.constant 320 : i32
    %dma_wait3A_32 = tpu.memref_slice %arg5[%dma_wait3A_31] : memref<1280xi32, #tpu.memory_space<vmem>> -> memref<320xi32, #tpu.memory_space<vmem>>
    %dma_wait3A_33 = arith.constant 0 : i32
    %dma_wait3A_34 = arith.constant 0 : i32
    %dma_wait3A_35 = tpu.memref_slice %arg2[%dma_wait3A_33, %dma_wait3A_34] : memref<8192x128xf32, #tpu.memory_space<hbm>> -> memref<8192x128xf32, #tpu.memory_space<hbm>>
    tpu.wait_indirect_dma semaphore(%arg9 : memref<!tpu.dma_semaphore, #tpu.memory_space<semaphore_mem>>) src(%dma_wait3A_35 : memref<8192x128xf32, #tpu.memory_space<hbm>>) dst(%arg7 : memref<320x128xf32, #tpu.memory_space<vmem>>)
    %add3A_36 = arith.constant 320 : i32
    %add3A_37 = arith.addi %mul3A_2, %add3A_36 : i32
    %dma_start3A_38 = arith.constant 0 : i32
    %dma_start3A_39 = tpu.memref_slice %arg4[%add3A_37, %dma_start3A_38] : memref<40960x128xf32, #tpu.memory_space<hbm>> -> memref<320x128xf32, #tpu.memory_space<hbm>>
    %dma_start3A_40 = arith.constant 0 : i32
    %dma_start3A_41 = tpu.memref_slice %arg4[%add3A_37, %dma_start3A_40] : memref<40960x128xf32, #tpu.memory_space<hbm>> -> memref<320x128xf32, #tpu.memory_space<hbm>>
    tpu.enqueue_dma source(%arg7 : memref<320x128xf32, #tpu.memory_space<vmem>>) target(%dma_start3A_41 : memref<320x128xf32, #tpu.memory_space<hbm>>) target_semaphore(%arg11 : memref<!tpu.dma_semaphore, #tpu.memory_space<semaphore_mem>>)
    %dma_wait3A_42 = arith.constant 0 : i32
    %dma_wait3A_43 = tpu.memref_slice %arg4[%add3A_37, %dma_wait3A_42] : memref<40960x128xf32, #tpu.memory_space<hbm>> -> memref<320x128xf32, #tpu.memory_space<hbm>>
    %dma_wait3A_44 = arith.constant 0 : i32
    %dma_wait3A_45 = tpu.memref_slice %arg4[%add3A_37, %dma_wait3A_44] : memref<40960x128xf32, #tpu.memory_space<hbm>> -> memref<320x128xf32, #tpu.memory_space<hbm>>
    tpu.wait_dma2 semaphore(%arg11 : memref<!tpu.dma_semaphore, #tpu.memory_space<semaphore_mem>>) src(%arg7 : memref<320x128xf32, #tpu.memory_space<vmem>>) dst(%dma_wait3A_45 : memref<320x128xf32, #tpu.memory_space<hbm>>)
    %dma_start3A_46 = arith.constant 960 : i32
    %dma_start3A_47 = tpu.memref_slice %arg5[%dma_start3A_46] : memref<1280xi32, #tpu.memory_space<vmem>> -> memref<320xi32, #tpu.memory_space<vmem>>
    %dma_start3A_48 = arith.constant 0 : i32
    %dma_start3A_49 = arith.constant 0 : i32
    %dma_start3A_50 = tpu.memref_slice %arg2[%dma_start3A_48, %dma_start3A_49] : memref<8192x128xf32, #tpu.memory_space<hbm>> -> memref<8192x128xf32, #tpu.memory_space<hbm>>
    tpu.enqueue_indirect_dma source(%dma_start3A_50 : memref<8192x128xf32, #tpu.memory_space<hbm>>) target(%arg7 : memref<320x128xf32, #tpu.memory_space<vmem>>) offsets(%dma_start3A_47 : memref<320xi32, #tpu.memory_space<vmem>>) semaphore(%arg9 : memref<!tpu.dma_semaphore, #tpu.memory_space<semaphore_mem>>)
    %dma_wait3A_51 = arith.constant 640 : i32
    %dma_wait3A_52 = tpu.memref_slice %arg5[%dma_wait3A_51] : memref<1280xi32, #tpu.memory_space<vmem>> -> memref<320xi32, #tpu.memory_space<vmem>>
    %dma_wait3A_53 = arith.constant 0 : i32
    %dma_wait3A_54 = arith.constant 0 : i32
    %dma_wait3A_55 = tpu.memref_slice %arg2[%dma_wait3A_53, %dma_wait3A_54] : memref<8192x128xf32, #tpu.memory_space<hbm>> -> memref<8192x128xf32, #tpu.memory_space<hbm>>
    tpu.wait_indirect_dma semaphore(%arg8 : memref<!tpu.dma_semaphore, #tpu.memory_space<semaphore_mem>>) src(%dma_wait3A_55 : memref<8192x128xf32, #tpu.memory_space<hbm>>) dst(%arg6 : memref<320x128xf32, #tpu.memory_space<vmem>>)
    %add3A_56 = arith.constant 640 : i32
    %add3A_57 = arith.addi %mul3A_2, %add3A_56 : i32
    %dma_start3A_58 = arith.constant 0 : i32
    %dma_start3A_59 = tpu.memref_slice %arg4[%add3A_57, %dma_start3A_58] : memref<40960x128xf32, #tpu.memory_space<hbm>> -> memref<320x128xf32, #tpu.memory_space<hbm>>
    %dma_start3A_60 = arith.constant 0 : i32
    %dma_start3A_61 = tpu.memref_slice %arg4[%add3A_57, %dma_start3A_60] : memref<40960x128xf32, #tpu.memory_space<hbm>> -> memref<320x128xf32, #tpu.memory_space<hbm>>
    tpu.enqueue_dma source(%arg6 : memref<320x128xf32, #tpu.memory_space<vmem>>) target(%dma_start3A_61 : memref<320x128xf32, #tpu.memory_space<hbm>>) target_semaphore(%arg10 : memref<!tpu.dma_semaphore, #tpu.memory_space<semaphore_mem>>)
    %dma_wait3A_62 = arith.constant 960 : i32
    %dma_wait3A_63 = tpu.memref_slice %arg5[%dma_wait3A_62] : memref<1280xi32, #tpu.memory_space<vmem>> -> memref<320xi32, #tpu.memory_space<vmem>>
    %dma_wait3A_64 = arith.constant 0 : i32
    %dma_wait3A_65 = arith.constant 0 : i32
    %dma_wait3A_66 = tpu.memref_slice %arg2[%dma_wait3A_64, %dma_wait3A_65] : memref<8192x128xf32, #tpu.memory_space<hbm>> -> memref<8192x128xf32, #tpu.memory_space<hbm>>
    tpu.wait_indirect_dma semaphore(%arg9 : memref<!tpu.dma_semaphore, #tpu.memory_space<semaphore_mem>>) src(%dma_wait3A_66 : memref<8192x128xf32, #tpu.memory_space<hbm>>) dst(%arg7 : memref<320x128xf32, #tpu.memory_space<vmem>>)
    %add3A_67 = arith.constant 960 : i32
    %add3A_68 = arith.addi %mul3A_2, %add3A_67 : i32
    %dma_start3A_69 = arith.constant 0 : i32
    %dma_start3A_70 = tpu.memref_slice %arg4[%add3A_68, %dma_start3A_69] : memref<40960x128xf32, #tpu.memory_space<hbm>> -> memref<320x128xf32, #tpu.memory_space<hbm>>
    %dma_start3A_71 = arith.constant 0 : i32
    %dma_start3A_72 = tpu.memref_slice %arg4[%add3A_68, %dma_start3A_71] : memref<40960x128xf32, #tpu.memory_space<hbm>> -> memref<320x128xf32, #tpu.memory_space<hbm>>
    tpu.enqueue_dma source(%arg7 : memref<320x128xf32, #tpu.memory_space<vmem>>) target(%dma_start3A_72 : memref<320x128xf32, #tpu.memory_space<hbm>>) target_semaphore(%arg11 : memref<!tpu.dma_semaphore, #tpu.memory_space<semaphore_mem>>)
    %dma_wait3A_73 = arith.constant 0 : i32
    %dma_wait3A_74 = tpu.memref_slice %arg4[%add3A_57, %dma_wait3A_73] : memref<40960x128xf32, #tpu.memory_space<hbm>> -> memref<320x128xf32, #tpu.memory_space<hbm>>
    %dma_wait3A_75 = arith.constant 0 : i32
    %dma_wait3A_76 = tpu.memref_slice %arg4[%add3A_57, %dma_wait3A_75] : memref<40960x128xf32, #tpu.memory_space<hbm>> -> memref<320x128xf32, #tpu.memory_space<hbm>>
    tpu.wait_dma2 semaphore(%arg10 : memref<!tpu.dma_semaphore, #tpu.memory_space<semaphore_mem>>) src(%arg6 : memref<320x128xf32, #tpu.memory_space<vmem>>) dst(%dma_wait3A_76 : memref<320x128xf32, #tpu.memory_space<hbm>>)
    %dma_wait3A_77 = arith.constant 0 : i32
    %dma_wait3A_78 = tpu.memref_slice %arg4[%add3A_68, %dma_wait3A_77] : memref<40960x128xf32, #tpu.memory_space<hbm>> -> memref<320x128xf32, #tpu.memory_space<hbm>>
    %dma_wait3A_79 = arith.constant 0 : i32
    %dma_wait3A_80 = tpu.memref_slice %arg4[%add3A_68, %dma_wait3A_79] : memref<40960x128xf32, #tpu.memory_space<hbm>> -> memref<320x128xf32, #tpu.memory_space<hbm>>
    tpu.wait_dma2 semaphore(%arg11 : memref<!tpu.dma_semaphore, #tpu.memory_space<semaphore_mem>>) src(%arg7 : memref<320x128xf32, #tpu.memory_space<vmem>>) dst(%dma_wait3A_80 : memref<320x128xf32, #tpu.memory_space<hbm>>)
    return
  }
}

module attributes {stable_mosaic.version = 14 : i64} {
  func.func @_knn_body(%arg0: i32, %arg1: i32, %arg2: memref<1x3x1024xf32, #tpu.memory_space<vmem>>, %arg3: memref<1x3x2048xf32, #tpu.memory_space<vmem>>, %arg4: memref<1x64x1024xf32, #tpu.memory_space<vmem>>, %arg5: memref<1x5x1024xi32, #tpu.memory_space<vmem>>, %arg6: memref<1x1024x128xf32, #tpu.memory_space<vmem>>) attributes {dimension_semantics = [#tpu.dimension_semantics<parallel>, #tpu.dimension_semantics<parallel>], iteration_bounds = array<i64: 4, 2>, scalar_prefetch = 0 : i64, scratch_operands = 0 : i64, tpu.core_type = #tpu.core_type<tc>, window_params = [{transform_indices = @transform_0, window_bounds = array<i64: 1, 3, 1024>}, {transform_indices = @transform_1, window_bounds = array<i64: 1, 3, 2048>}, {transform_indices = @transform_2, window_bounds = array<i64: 1, 64, 1024>}, {transform_indices = @transform_3, window_bounds = array<i64: 1, 5, 1024>}, {transform_indices = @transform_4, window_bounds = array<i64: 1, 1024, 128>}]} {
    %get3A = arith.constant 0 : index
    %get3A_0 = arith.constant 0 : index
    %get3A_1 = arith.constant 0 : index
    %get3A_2 = vector.load %arg2[%get3A, %get3A_0, %get3A_1] : memref<1x3x1024xf32, #tpu.memory_space<vmem>>, vector<1x3x1024xf32>
    %get3A_3 = vector.shape_cast %get3A_2 : vector<1x3x1024xf32> to vector<3x1024xf32>
    %transpose3A = tpu.transpose %get3A_3, [1, 0] : vector<3x1024xf32> -> vector<1024x3xf32>
    %get3A_4 = arith.constant 0 : index
    %get3A_5 = arith.constant 0 : index
    %get3A_6 = arith.constant 0 : index
    %get3A_7 = vector.load %arg3[%get3A_4, %get3A_5, %get3A_6] : memref<1x3x2048xf32, #tpu.memory_space<vmem>>, vector<1x3x2048xf32>
    %get3A_8 = vector.shape_cast %get3A_7 : vector<1x3x2048xf32> to vector<3x2048xf32>
    %get3A_9 = arith.constant 0 : index
    %get3A_10 = arith.constant 0 : index
    %get3A_11 = arith.constant 0 : index
    %get3A_12 = vector.load %arg4[%get3A_9, %get3A_10, %get3A_11] : memref<1x64x1024xf32, #tpu.memory_space<vmem>>, vector<1x64x1024xf32>
    %get3A_13 = vector.shape_cast %get3A_12 : vector<1x64x1024xf32> to vector<64x1024xf32>
    %transpose3A_14 = tpu.transpose %get3A_13, [1, 0] : vector<64x1024xf32> -> vector<1024x64xf32>
    %broadcast_in_dim3A = arith.constant 0.000000e+00 : f32
    %broadcast_in_dim3A_15 = vector.broadcast %broadcast_in_dim3A : f32 to vector<1024x61xf32>
    %concatenate3A = tpu.concatenate %transpose3A_14, %transpose3A, %broadcast_in_dim3A_15 in 1 : vector<1024x64xf32>, vector<1024x3xf32>, vector<1024x61xf32> -> vector<1024x128xf32>
    %swap3A = arith.constant 0 : index
    %swap3A_16 = arith.constant 0 : index
    %swap3A_17 = arith.constant 0 : index
    %swap3A_18 = vector.load %arg6[%swap3A, %swap3A_16, %swap3A_17] : memref<1x1024x128xf32, #tpu.memory_space<vmem>>, vector<1x1024x128xf32>
    %swap3A_19 = vector.shape_cast %swap3A_18 : vector<1x1024x128xf32> to vector<1024x128xf32>
    %swap3A_20 = vector.shape_cast %concatenate3A : vector<1024x128xf32> to vector<1x1024x128xf32>
    tpu.vector_store %arg6[%swap3A, %swap3A_16, %swap3A_17], %swap3A_20 {strides = array<i32>} : memref<1x1024x128xf32, #tpu.memory_space<vmem>>, vector<1x1024x128xf32>,
    %mul3A = arith.constant -2.000000e+00 : f32
    %mul3A_21 = vector.broadcast %mul3A : f32 to vector<1024x3xf32>
    %mul3A_22 = arith.mulf %transpose3A, %mul3A_21 : vector<1024x3xf32>
    %dot_general3A = arith.constant dense<0.000000e+00> : vector<1024x2048xf32>
    %dot_general3A_23 = tpu.matmul %mul3A_22, %get3A_8, %dot_general3A {dimension_numbers = #tpu.dot_dimension_numbers<[1], [0], [0], [1], [0, 0, 1, 1], [], []>, transpose_lhs_hint = false} : vector<1024x3xf32>, vector<3x2048xf32>, vector<1024x2048xf32> -> vector<1024x2048xf32>
    %mul3A_24 = arith.mulf %transpose3A, %transpose3A : vector<1024x3xf32>
    %reduce_sum3A = arith.constant dense<0.000000e+00> : vector<1024xf32>
    %reduce_sum3A_25 = vector.multi_reduction <add>, %mul3A_24, %reduce_sum3A [1] : vector<1024x3xf32> to vector<1024xf32>
    %broadcast_in_dim3A_26 = vector.shape_cast %reduce_sum3A_25 : vector<1024xf32> to vector<1024x1xf32>
    %mul3A_27 = arith.mulf %get3A_8, %get3A_8 : vector<3x2048xf32>
    %reduce_sum3A_28 = arith.constant dense<0.000000e+00> : vector<2048xf32>
    %reduce_sum3A_29 = vector.multi_reduction <add>, %mul3A_27, %reduce_sum3A_28 [0] : vector<3x2048xf32> to vector<2048xf32>
    %broadcast_in_dim3A_30 = vector.shape_cast %reduce_sum3A_29 : vector<2048xf32> to vector<1x2048xf32>
    %neg3A = arith.constant 0.000000e+00 : f32
    %neg3A_31 = vector.broadcast %neg3A : f32 to vector<1024x1xf32>
    %neg3A_32 = arith.subf %neg3A_31, %broadcast_in_dim3A_26 : vector<1024x1xf32>
    %sub3A = vector.broadcast %neg3A_32 : vector<1024x1xf32> to vector<1024x2048xf32>
    %sub3A_33 = arith.subf %sub3A, %dot_general3A_23 : vector<1024x2048xf32>
    %sub3A_34 = vector.broadcast %broadcast_in_dim3A_30 : vector<1x2048xf32> to vector<1024x2048xf32>
    %sub3A_35 = arith.subf %sub3A_33, %sub3A_34 : vector<1024x2048xf32>
    %iota3A = tpu.iota {dimensions = array<i32: 1>} : vector<1024x2048xi32>
    %convert_element_type3A = arith.sitofp %iota3A : vector<1024x2048xi32> to vector<1024x2048xf32>
    %reduce_max3A = arith.constant dense<0xFF800000> : vector<1024xf32>
    %reduce_max3A_36 = vector.multi_reduction <maximumf>, %sub3A_35, %reduce_max3A [1] : vector<1024x2048xf32> to vector<1024xf32>
    %broadcast_in_dim3A_37 = vector.shape_cast %reduce_max3A_36 : vector<1024xf32> to vector<1024x1xf32>
    %eq3A = vector.broadcast %broadcast_in_dim3A_37 : vector<1024x1xf32> to vector<1024x2048xf32>
    %eq3A_38 = arith.cmpf oeq, %sub3A_35, %eq3A : vector<1024x2048xf32>
    %jit3A = arith.constant 2.048000e+03 : f32
    %broadcast_in_dim3A_39 = vector.broadcast %jit3A : f32 to vector<1024x2048xf32>
    %select_n3A = arith.select %eq3A_38, %convert_element_type3A, %broadcast_in_dim3A_39 : vector<1024x2048xi1>, vector<1024x2048xf32>
    %reduce_min3A = arith.constant dense<0x7F800000> : vector<1024xf32>
    %reduce_min3A_40 = vector.multi_reduction <minimumf>, %select_n3A, %reduce_min3A [1] : vector<1024x2048xf32> to vector<1024xf32>
    %broadcast_in_dim3A_41 = vector.shape_cast %reduce_min3A_40 : vector<1024xf32> to vector<1024x1xf32>
    %eq3A_42 = vector.broadcast %broadcast_in_dim3A_41 : vector<1024x1xf32> to vector<1024x2048xf32>
    %eq3A_43 = arith.cmpf oeq, %select_n3A, %eq3A_42 : vector<1024x2048xf32>
    %jit3A_44 = arith.constant 0xFF800000 : f32
    %broadcast_in_dim3A_45 = vector.broadcast %jit3A_44 : f32 to vector<1024x2048xf32>
    %select_n3A_46 = arith.select %eq3A_43, %broadcast_in_dim3A_45, %sub3A_35 : vector<1024x2048xi1>, vector<1024x2048xf32>
    %reduce_max3A_47 = arith.constant dense<0xFF800000> : vector<1024xf32>
    %reduce_max3A_48 = vector.multi_reduction <maximumf>, %select_n3A_46, %reduce_max3A_47 [1] : vector<1024x2048xf32> to vector<1024xf32>
    %broadcast_in_dim3A_49 = vector.shape_cast %reduce_max3A_48 : vector<1024xf32> to vector<1024x1xf32>
    %eq3A_50 = vector.broadcast %broadcast_in_dim3A_49 : vector<1024x1xf32> to vector<1024x2048xf32>
    %eq3A_51 = arith.cmpf oeq, %select_n3A_46, %eq3A_50 : vector<1024x2048xf32>
    %jit3A_52 = arith.constant 2.048000e+03 : f32
    %broadcast_in_dim3A_53 = vector.broadcast %jit3A_52 : f32 to vector<1024x2048xf32>
    %select_n3A_54 = arith.select %eq3A_51, %convert_element_type3A, %broadcast_in_dim3A_53 : vector<1024x2048xi1>, vector<1024x2048xf32>
    %reduce_min3A_55 = arith.constant dense<0x7F800000> : vector<1024xf32>
    %reduce_min3A_56 = vector.multi_reduction <minimumf>, %select_n3A_54, %reduce_min3A_55 [1] : vector<1024x2048xf32> to vector<1024xf32>
    %broadcast_in_dim3A_57 = vector.shape_cast %reduce_min3A_56 : vector<1024xf32> to vector<1024x1xf32>
    %eq3A_58 = vector.broadcast %broadcast_in_dim3A_57 : vector<1024x1xf32> to vector<1024x2048xf32>
    %eq3A_59 = arith.cmpf oeq, %select_n3A_54, %eq3A_58 : vector<1024x2048xf32>
    %jit3A_60 = arith.constant 0xFF800000 : f32
    %broadcast_in_dim3A_61 = vector.broadcast %jit3A_60 : f32 to vector<1024x2048xf32>
    %select_n3A_62 = arith.select %eq3A_59, %broadcast_in_dim3A_61, %select_n3A_46 : vector<1024x2048xi1>, vector<1024x2048xf32>
    %reduce_max3A_63 = arith.constant dense<0xFF800000> : vector<1024xf32>
    %reduce_max3A_64 = vector.multi_reduction <maximumf>, %select_n3A_62, %reduce_max3A_63 [1] : vector<1024x2048xf32> to vector<1024xf32>
    %broadcast_in_dim3A_65 = vector.shape_cast %reduce_max3A_64 : vector<1024xf32> to vector<1024x1xf32>
    %eq3A_66 = vector.broadcast %broadcast_in_dim3A_65 : vector<1024x1xf32> to vector<1024x2048xf32>
    %eq3A_67 = arith.cmpf oeq, %select_n3A_62, %eq3A_66 : vector<1024x2048xf32>
    %jit3A_68 = arith.constant 2.048000e+03 : f32
    %broadcast_in_dim3A_69 = vector.broadcast %jit3A_68 : f32 to vector<1024x2048xf32>
    %select_n3A_70 = arith.select %eq3A_67, %convert_element_type3A, %broadcast_in_dim3A_69 : vector<1024x2048xi1>, vector<1024x2048xf32>
    %reduce_min3A_71 = arith.constant dense<0x7F800000> : vector<1024xf32>
    %reduce_min3A_72 = vector.multi_reduction <minimumf>, %select_n3A_70, %reduce_min3A_71 [1] : vector<1024x2048xf32> to vector<1024xf32>
    %broadcast_in_dim3A_73 = vector.shape_cast %reduce_min3A_72 : vector<1024xf32> to vector<1024x1xf32>
    %eq3A_74 = vector.broadcast %broadcast_in_dim3A_73 : vector<1024x1xf32> to vector<1024x2048xf32>
    %eq3A_75 = arith.cmpf oeq, %select_n3A_70, %eq3A_74 : vector<1024x2048xf32>
    %jit3A_76 = arith.constant 0xFF800000 : f32
    %broadcast_in_dim3A_77 = vector.broadcast %jit3A_76 : f32 to vector<1024x2048xf32>
    %select_n3A_78 = arith.select %eq3A_75, %broadcast_in_dim3A_77, %select_n3A_62 : vector<1024x2048xi1>, vector<1024x2048xf32>
    %reduce_max3A_79 = arith.constant dense<0xFF800000> : vector<1024xf32>
    %reduce_max3A_80 = vector.multi_reduction <maximumf>, %select_n3A_78, %reduce_max3A_79 [1] : vector<1024x2048xf32> to vector<1024xf32>
    %broadcast_in_dim3A_81 = vector.shape_cast %reduce_max3A_80 : vector<1024xf32> to vector<1024x1xf32>
    %eq3A_82 = vector.broadcast %broadcast_in_dim3A_81 : vector<1024x1xf32> to vector<1024x2048xf32>
    %eq3A_83 = arith.cmpf oeq, %select_n3A_78, %eq3A_82 : vector<1024x2048xf32>
    %jit3A_84 = arith.constant 2.048000e+03 : f32
    %broadcast_in_dim3A_85 = vector.broadcast %jit3A_84 : f32 to vector<1024x2048xf32>
    %select_n3A_86 = arith.select %eq3A_83, %convert_element_type3A, %broadcast_in_dim3A_85 : vector<1024x2048xi1>, vector<1024x2048xf32>
    %reduce_min3A_87 = arith.constant dense<0x7F800000> : vector<1024xf32>
    %reduce_min3A_88 = vector.multi_reduction <minimumf>, %select_n3A_86, %reduce_min3A_87 [1] : vector<1024x2048xf32> to vector<1024xf32>
    %broadcast_in_dim3A_89 = vector.shape_cast %reduce_min3A_88 : vector<1024xf32> to vector<1024x1xf32>
    %eq3A_90 = vector.broadcast %broadcast_in_dim3A_89 : vector<1024x1xf32> to vector<1024x2048xf32>
    %eq3A_91 = arith.cmpf oeq, %select_n3A_86, %eq3A_90 : vector<1024x2048xf32>
    %jit3A_92 = arith.constant 0xFF800000 : f32
    %broadcast_in_dim3A_93 = vector.broadcast %jit3A_92 : f32 to vector<1024x2048xf32>
    %select_n3A_94 = arith.select %eq3A_91, %broadcast_in_dim3A_93, %select_n3A_78 : vector<1024x2048xi1>, vector<1024x2048xf32>
    %reduce_max3A_95 = arith.constant dense<0xFF800000> : vector<1024xf32>
    %reduce_max3A_96 = vector.multi_reduction <maximumf>, %select_n3A_94, %reduce_max3A_95 [1] : vector<1024x2048xf32> to vector<1024xf32>
    %broadcast_in_dim3A_97 = vector.shape_cast %reduce_max3A_96 : vector<1024xf32> to vector<1024x1xf32>
    %eq3A_98 = vector.broadcast %broadcast_in_dim3A_97 : vector<1024x1xf32> to vector<1024x2048xf32>
    %eq3A_99 = arith.cmpf oeq, %select_n3A_94, %eq3A_98 : vector<1024x2048xf32>
    %jit3A_100 = arith.constant 2.048000e+03 : f32
    %broadcast_in_dim3A_101 = vector.broadcast %jit3A_100 : f32 to vector<1024x2048xf32>
    %select_n3A_102 = arith.select %eq3A_99, %convert_element_type3A, %broadcast_in_dim3A_101 : vector<1024x2048xi1>, vector<1024x2048xf32>
    %reduce_min3A_103 = arith.constant dense<0x7F800000> : vector<1024xf32>
    %reduce_min3A_104 = vector.multi_reduction <minimumf>, %select_n3A_102, %reduce_min3A_103 [1] : vector<1024x2048xf32> to vector<1024xf32>
    %broadcast_in_dim3A_105 = vector.shape_cast %reduce_min3A_104 : vector<1024xf32> to vector<1024x1xf32>
    %concatenate3A_106 = tpu.concatenate %broadcast_in_dim3A_41, %broadcast_in_dim3A_57, %broadcast_in_dim3A_73, %broadcast_in_dim3A_89, %broadcast_in_dim3A_105 in 1 : vector<1024x1xf32>, vector<1024x1xf32>, vector<1024x1xf32>, vector<1024x1xf32>, vector<1024x1xf32> -> vector<1024x5xf32>
    %convert_element_type3A_107 = arith.fptosi %concatenate3A_106 : vector<1024x5xf32> to vector<1024x5xi32>
    %mul3A_108 = arith.constant 2048 : i32
    %mul3A_109 = arith.muli %arg0, %mul3A_108 : i32
    %add3A = vector.broadcast %mul3A_109 : i32 to vector<1024x5xi32>
    %add3A_110 = arith.addi %convert_element_type3A_107, %add3A : vector<1024x5xi32>
    %transpose3A_111 = tpu.transpose %add3A_110, [1, 0] : vector<1024x5xi32> -> vector<5x1024xi32>
    %swap3A_112 = arith.constant 0 : index
    %swap3A_113 = arith.constant 0 : index
    %swap3A_114 = arith.constant 0 : index
    %swap3A_115 = vector.load %arg5[%swap3A_112, %swap3A_113, %swap3A_114] : memref<1x5x1024xi32, #tpu.memory_space<vmem>>, vector<1x5x1024xi32>
    %swap3A_116 = vector.shape_cast %swap3A_115 : vector<1x5x1024xi32> to vector<5x1024xi32>
    %swap3A_117 = vector.shape_cast %transpose3A_111 : vector<5x1024xi32> to vector<1x5x1024xi32>
    tpu.vector_store %arg5[%swap3A_112, %swap3A_113, %swap3A_114], %swap3A_117 {strides = array<i32>} : memref<1x5x1024xi32, #tpu.memory_space<vmem>>, vector<1x5x1024xi32>,
    return
  }
  func.func @transform_0(%arg0: i32, %arg1: i32) -> (i32, i32, i32) {
    %add3A = arith.constant 0 : i32
    %add3A_0 = arith.addi %add3A, %arg0 : i32
    %c0_i32 = arith.constant 0 : i32
    %c0_i32_1 = arith.constant 0 : i32
    return %add3A_0, %c0_i32, %arg1 : i32, i32, i32
  }
  func.func @transform_1(%arg0: i32, %arg1: i32) -> (i32, i32, i32) {
    %add3A = arith.constant 0 : i32
    %add3A_0 = arith.addi %add3A, %arg0 : i32
    %c0_i32 = arith.constant 0 : i32
    %c0_i32_1 = arith.constant 0 : i32
    %c0_i32_2 = arith.constant 0 : i32
    return %add3A_0, %c0_i32, %c0_i32_1 : i32, i32, i32
  }
  func.func @transform_2(%arg0: i32, %arg1: i32) -> (i32, i32, i32) {
    %add3A = arith.constant 0 : i32
    %add3A_0 = arith.addi %add3A, %arg0 : i32
    %c0_i32 = arith.constant 0 : i32
    %c0_i32_1 = arith.constant 0 : i32
    return %add3A_0, %c0_i32, %arg1 : i32, i32, i32
  }
  func.func @transform_3(%arg0: i32, %arg1: i32) -> (i32, i32, i32) {
    %c0_i32 = arith.constant 0 : i32
    %c0_i32_0 = arith.constant 0 : i32
    return %arg0, %c0_i32, %arg1 : i32, i32, i32
  }
  func.func @transform_4(%arg0: i32, %arg1: i32) -> (i32, i32, i32) {
    %c0_i32 = arith.constant 0 : i32
    %c0_i32_0 = arith.constant 0 : i32
    return %arg0, %arg1, %c0_i32 : i32, i32, i32
  }
}

module attributes {stable_mosaic.version = 14 : i64} {
  func.func @_knn_body(%arg0: i32, %arg1: i32, %arg2: memref<1x3x1024xf32, #tpu.memory_space<vmem>>, %arg3: memref<1x3x2048xf32, #tpu.memory_space<vmem>>, %arg4: memref<1x64x1024xf32, #tpu.memory_space<vmem>>, %arg5: memref<1x5x1024xi32, #tpu.memory_space<vmem>>, %arg6: memref<1x1024x128xf32, #tpu.memory_space<vmem>>) attributes {dimension_semantics = [#tpu.dimension_semantics<parallel>, #tpu.dimension_semantics<parallel>], iteration_bounds = array<i64: 4, 2>, scalar_prefetch = 0 : i64, scratch_operands = 0 : i64, tpu.core_type = #tpu.core_type<tc>, window_params = [{transform_indices = @transform_0, window_bounds = array<i64: 1, 3, 1024>}, {transform_indices = @transform_1, window_bounds = array<i64: 1, 3, 2048>}, {transform_indices = @transform_2, window_bounds = array<i64: 1, 64, 1024>}, {transform_indices = @transform_3, window_bounds = array<i64: 1, 5, 1024>}, {transform_indices = @transform_4, window_bounds = array<i64: 1, 1024, 128>}]} {
    %get3A = arith.constant 0 : index
    %get3A_0 = arith.constant 0 : index
    %get3A_1 = arith.constant 0 : index
    %get3A_2 = vector.load %arg2[%get3A, %get3A_0, %get3A_1] : memref<1x3x1024xf32, #tpu.memory_space<vmem>>, vector<1x3x1024xf32>
    %get3A_3 = vector.shape_cast %get3A_2 : vector<1x3x1024xf32> to vector<3x1024xf32>
    %transpose3A = tpu.transpose %get3A_3, [1, 0] : vector<3x1024xf32> -> vector<1024x3xf32>
    %get3A_4 = arith.constant 0 : index
    %get3A_5 = arith.constant 0 : index
    %get3A_6 = arith.constant 0 : index
    %get3A_7 = vector.load %arg3[%get3A_4, %get3A_5, %get3A_6] : memref<1x3x2048xf32, #tpu.memory_space<vmem>>, vector<1x3x2048xf32>
    %get3A_8 = vector.shape_cast %get3A_7 : vector<1x3x2048xf32> to vector<3x2048xf32>
    %get3A_9 = arith.constant 0 : index
    %get3A_10 = arith.constant 0 : index
    %get3A_11 = arith.constant 0 : index
    %get3A_12 = vector.load %arg4[%get3A_9, %get3A_10, %get3A_11] : memref<1x64x1024xf32, #tpu.memory_space<vmem>>, vector<1x64x1024xf32>
    %get3A_13 = vector.shape_cast %get3A_12 : vector<1x64x1024xf32> to vector<64x1024xf32>
    %transpose3A_14 = tpu.transpose %get3A_13, [1, 0] : vector<64x1024xf32> -> vector<1024x64xf32>
    %broadcast_in_dim3A = arith.constant 0.000000e+00 : f32
    %broadcast_in_dim3A_15 = vector.broadcast %broadcast_in_dim3A : f32 to vector<1024x61xf32>
    %concatenate3A = tpu.concatenate %transpose3A_14, %transpose3A, %broadcast_in_dim3A_15 in 1 : vector<1024x64xf32>, vector<1024x3xf32>, vector<1024x61xf32> -> vector<1024x128xf32>
    %swap3A = arith.constant 0 : index
    %swap3A_16 = arith.constant 0 : index
    %swap3A_17 = arith.constant 0 : index
    %swap3A_18 = vector.load %arg6[%swap3A, %swap3A_16, %swap3A_17] : memref<1x1024x128xf32, #tpu.memory_space<vmem>>, vector<1x1024x128xf32>
    %swap3A_19 = vector.shape_cast %swap3A_18 : vector<1x1024x128xf32> to vector<1024x128xf32>
    %swap3A_20 = vector.shape_cast %concatenate3A : vector<1024x128xf32> to vector<1x1024x128xf32>
    tpu.vector_store %arg6[%swap3A, %swap3A_16, %swap3A_17], %swap3A_20 {strides = array<i32>} : memref<1x1024x128xf32, #tpu.memory_space<vmem>>, vector<1x1024x128xf32>,
    %mul3A = arith.constant -2.000000e+00 : f32
    %mul3A_21 = vector.broadcast %mul3A : f32 to vector<1024x3xf32>
    %mul3A_22 = arith.mulf %transpose3A, %mul3A_21 : vector<1024x3xf32>
    %dot_general3A = arith.constant dense<0.000000e+00> : vector<1024x2048xf32>
    %dot_general3A_23 = tpu.matmul %mul3A_22, %get3A_8, %dot_general3A {dimension_numbers = #tpu.dot_dimension_numbers<[1], [0], [0], [1], [0, 0, 1, 1], [], []>, transpose_lhs_hint = false} : vector<1024x3xf32>, vector<3x2048xf32>, vector<1024x2048xf32> -> vector<1024x2048xf32>
    %mul3A_24 = arith.mulf %transpose3A, %transpose3A : vector<1024x3xf32>
    %reduce_sum3A = arith.constant dense<0.000000e+00> : vector<1024xf32>
    %reduce_sum3A_25 = vector.multi_reduction <add>, %mul3A_24, %reduce_sum3A [1] : vector<1024x3xf32> to vector<1024xf32>
    %broadcast_in_dim3A_26 = vector.shape_cast %reduce_sum3A_25 : vector<1024xf32> to vector<1024x1xf32>
    %mul3A_27 = arith.mulf %get3A_8, %get3A_8 : vector<3x2048xf32>
    %reduce_sum3A_28 = arith.constant dense<0.000000e+00> : vector<2048xf32>
    %reduce_sum3A_29 = vector.multi_reduction <add>, %mul3A_27, %reduce_sum3A_28 [0] : vector<3x2048xf32> to vector<2048xf32>
    %broadcast_in_dim3A_30 = vector.shape_cast %reduce_sum3A_29 : vector<2048xf32> to vector<1x2048xf32>
    %neg3A = arith.constant 0.000000e+00 : f32
    %neg3A_31 = vector.broadcast %neg3A : f32 to vector<1024x1xf32>
    %neg3A_32 = arith.subf %neg3A_31, %broadcast_in_dim3A_26 : vector<1024x1xf32>
    %sub3A = vector.broadcast %neg3A_32 : vector<1024x1xf32> to vector<1024x2048xf32>
    %sub3A_33 = arith.subf %sub3A, %dot_general3A_23 : vector<1024x2048xf32>
    %sub3A_34 = vector.broadcast %broadcast_in_dim3A_30 : vector<1x2048xf32> to vector<1024x2048xf32>
    %sub3A_35 = arith.subf %sub3A_33, %sub3A_34 : vector<1024x2048xf32>
    %iota3A = tpu.iota {dimensions = array<i32: 1>} : vector<1024x2048xi32>
    %convert_element_type3A = arith.sitofp %iota3A : vector<1024x2048xi32> to vector<1024x2048xf32>
    %reduce_max3A = arith.constant dense<0xFF800000> : vector<1024xf32>
    %reduce_max3A_36 = vector.multi_reduction <maximumf>, %sub3A_35, %reduce_max3A [1] : vector<1024x2048xf32> to vector<1024xf32>
    %broadcast_in_dim3A_37 = vector.shape_cast %reduce_max3A_36 : vector<1024xf32> to vector<1024x1xf32>
    %eq3A = vector.broadcast %broadcast_in_dim3A_37 : vector<1024x1xf32> to vector<1024x2048xf32>
    %eq3A_38 = arith.cmpf oeq, %sub3A_35, %eq3A : vector<1024x2048xf32>
    %jit3A = arith.constant 2.048000e+03 : f32
    %broadcast_in_dim3A_39 = vector.broadcast %jit3A : f32 to vector<1024x2048xf32>
    %select_n3A = arith.select %eq3A_38, %convert_element_type3A, %broadcast_in_dim3A_39 : vector<1024x2048xi1>, vector<1024x2048xf32>
    %reduce_min3A = arith.constant dense<0x7F800000> : vector<1024xf32>
    %reduce_min3A_40 = vector.multi_reduction <minimumf>, %select_n3A, %reduce_min3A [1] : vector<1024x2048xf32> to vector<1024xf32>
    %broadcast_in_dim3A_41 = vector.shape_cast %reduce_min3A_40 : vector<1024xf32> to vector<1024x1xf32>
    %eq3A_42 = vector.broadcast %broadcast_in_dim3A_41 : vector<1024x1xf32> to vector<1024x2048xf32>
    %eq3A_43 = arith.cmpf oeq, %select_n3A, %eq3A_42 : vector<1024x2048xf32>
    %jit3A_44 = arith.constant 0xFF800000 : f32
    %broadcast_in_dim3A_45 = vector.broadcast %jit3A_44 : f32 to vector<1024x2048xf32>
    %select_n3A_46 = arith.select %eq3A_43, %broadcast_in_dim3A_45, %sub3A_35 : vector<1024x2048xi1>, vector<1024x2048xf32>
    %reduce_max3A_47 = arith.constant dense<0xFF800000> : vector<1024xf32>
    %reduce_max3A_48 = vector.multi_reduction <maximumf>, %select_n3A_46, %reduce_max3A_47 [1] : vector<1024x2048xf32> to vector<1024xf32>
    %broadcast_in_dim3A_49 = vector.shape_cast %reduce_max3A_48 : vector<1024xf32> to vector<1024x1xf32>
    %eq3A_50 = vector.broadcast %broadcast_in_dim3A_49 : vector<1024x1xf32> to vector<1024x2048xf32>
    %eq3A_51 = arith.cmpf oeq, %select_n3A_46, %eq3A_50 : vector<1024x2048xf32>
    %jit3A_52 = arith.constant 2.048000e+03 : f32
    %broadcast_in_dim3A_53 = vector.broadcast %jit3A_52 : f32 to vector<1024x2048xf32>
    %select_n3A_54 = arith.select %eq3A_51, %convert_element_type3A, %broadcast_in_dim3A_53 : vector<1024x2048xi1>, vector<1024x2048xf32>
    %reduce_min3A_55 = arith.constant dense<0x7F800000> : vector<1024xf32>
    %reduce_min3A_56 = vector.multi_reduction <minimumf>, %select_n3A_54, %reduce_min3A_55 [1] : vector<1024x2048xf32> to vector<1024xf32>
    %broadcast_in_dim3A_57 = vector.shape_cast %reduce_min3A_56 : vector<1024xf32> to vector<1024x1xf32>
    %eq3A_58 = vector.broadcast %broadcast_in_dim3A_57 : vector<1024x1xf32> to vector<1024x2048xf32>
    %eq3A_59 = arith.cmpf oeq, %select_n3A_54, %eq3A_58 : vector<1024x2048xf32>
    %jit3A_60 = arith.constant 0xFF800000 : f32
    %broadcast_in_dim3A_61 = vector.broadcast %jit3A_60 : f32 to vector<1024x2048xf32>
    %select_n3A_62 = arith.select %eq3A_59, %broadcast_in_dim3A_61, %select_n3A_46 : vector<1024x2048xi1>, vector<1024x2048xf32>
    %reduce_max3A_63 = arith.constant dense<0xFF800000> : vector<1024xf32>
    %reduce_max3A_64 = vector.multi_reduction <maximumf>, %select_n3A_62, %reduce_max3A_63 [1] : vector<1024x2048xf32> to vector<1024xf32>
    %broadcast_in_dim3A_65 = vector.shape_cast %reduce_max3A_64 : vector<1024xf32> to vector<1024x1xf32>
    %eq3A_66 = vector.broadcast %broadcast_in_dim3A_65 : vector<1024x1xf32> to vector<1024x2048xf32>
    %eq3A_67 = arith.cmpf oeq, %select_n3A_62, %eq3A_66 : vector<1024x2048xf32>
    %jit3A_68 = arith.constant 2.048000e+03 : f32
    %broadcast_in_dim3A_69 = vector.broadcast %jit3A_68 : f32 to vector<1024x2048xf32>
    %select_n3A_70 = arith.select %eq3A_67, %convert_element_type3A, %broadcast_in_dim3A_69 : vector<1024x2048xi1>, vector<1024x2048xf32>
    %reduce_min3A_71 = arith.constant dense<0x7F800000> : vector<1024xf32>
    %reduce_min3A_72 = vector.multi_reduction <minimumf>, %select_n3A_70, %reduce_min3A_71 [1] : vector<1024x2048xf32> to vector<1024xf32>
    %broadcast_in_dim3A_73 = vector.shape_cast %reduce_min3A_72 : vector<1024xf32> to vector<1024x1xf32>
    %eq3A_74 = vector.broadcast %broadcast_in_dim3A_73 : vector<1024x1xf32> to vector<1024x2048xf32>
    %eq3A_75 = arith.cmpf oeq, %select_n3A_70, %eq3A_74 : vector<1024x2048xf32>
    %jit3A_76 = arith.constant 0xFF800000 : f32
    %broadcast_in_dim3A_77 = vector.broadcast %jit3A_76 : f32 to vector<1024x2048xf32>
    %select_n3A_78 = arith.select %eq3A_75, %broadcast_in_dim3A_77, %select_n3A_62 : vector<1024x2048xi1>, vector<1024x2048xf32>
    %reduce_max3A_79 = arith.constant dense<0xFF800000> : vector<1024xf32>
    %reduce_max3A_80 = vector.multi_reduction <maximumf>, %select_n3A_78, %reduce_max3A_79 [1] : vector<1024x2048xf32> to vector<1024xf32>
    %broadcast_in_dim3A_81 = vector.shape_cast %reduce_max3A_80 : vector<1024xf32> to vector<1024x1xf32>
    %eq3A_82 = vector.broadcast %broadcast_in_dim3A_81 : vector<1024x1xf32> to vector<1024x2048xf32>
    %eq3A_83 = arith.cmpf oeq, %select_n3A_78, %eq3A_82 : vector<1024x2048xf32>
    %jit3A_84 = arith.constant 2.048000e+03 : f32
    %broadcast_in_dim3A_85 = vector.broadcast %jit3A_84 : f32 to vector<1024x2048xf32>
    %select_n3A_86 = arith.select %eq3A_83, %convert_element_type3A, %broadcast_in_dim3A_85 : vector<1024x2048xi1>, vector<1024x2048xf32>
    %reduce_min3A_87 = arith.constant dense<0x7F800000> : vector<1024xf32>
    %reduce_min3A_88 = vector.multi_reduction <minimumf>, %select_n3A_86, %reduce_min3A_87 [1] : vector<1024x2048xf32> to vector<1024xf32>
    %broadcast_in_dim3A_89 = vector.shape_cast %reduce_min3A_88 : vector<1024xf32> to vector<1024x1xf32>
    %eq3A_90 = vector.broadcast %broadcast_in_dim3A_89 : vector<1024x1xf32> to vector<1024x2048xf32>
    %eq3A_91 = arith.cmpf oeq, %select_n3A_86, %eq3A_90 : vector<1024x2048xf32>
    %jit3A_92 = arith.constant 0xFF800000 : f32
    %broadcast_in_dim3A_93 = vector.broadcast %jit3A_92 : f32 to vector<1024x2048xf32>
    %select_n3A_94 = arith.select %eq3A_91, %broadcast_in_dim3A_93, %select_n3A_78 : vector<1024x2048xi1>, vector<1024x2048xf32>
    %reduce_max3A_95 = arith.constant dense<0xFF800000> : vector<1024xf32>
    %reduce_max3A_96 = vector.multi_reduction <maximumf>, %select_n3A_94, %reduce_max3A_95 [1] : vector<1024x2048xf32> to vector<1024xf32>
    %broadcast_in_dim3A_97 = vector.shape_cast %reduce_max3A_96 : vector<1024xf32> to vector<1024x1xf32>
    %eq3A_98 = vector.broadcast %broadcast_in_dim3A_97 : vector<1024x1xf32> to vector<1024x2048xf32>
    %eq3A_99 = arith.cmpf oeq, %select_n3A_94, %eq3A_98 : vector<1024x2048xf32>
    %jit3A_100 = arith.constant 2.048000e+03 : f32
    %broadcast_in_dim3A_101 = vector.broadcast %jit3A_100 : f32 to vector<1024x2048xf32>
    %select_n3A_102 = arith.select %eq3A_99, %convert_element_type3A, %broadcast_in_dim3A_101 : vector<1024x2048xi1>, vector<1024x2048xf32>
    %reduce_min3A_103 = arith.constant dense<0x7F800000> : vector<1024xf32>
    %reduce_min3A_104 = vector.multi_reduction <minimumf>, %select_n3A_102, %reduce_min3A_103 [1] : vector<1024x2048xf32> to vector<1024xf32>
    %broadcast_in_dim3A_105 = vector.shape_cast %reduce_min3A_104 : vector<1024xf32> to vector<1024x1xf32>
    %concatenate3A_106 = tpu.concatenate %broadcast_in_dim3A_41, %broadcast_in_dim3A_57, %broadcast_in_dim3A_73, %broadcast_in_dim3A_89, %broadcast_in_dim3A_105 in 1 : vector<1024x1xf32>, vector<1024x1xf32>, vector<1024x1xf32>, vector<1024x1xf32>, vector<1024x1xf32> -> vector<1024x5xf32>
    %convert_element_type3A_107 = arith.fptosi %concatenate3A_106 : vector<1024x5xf32> to vector<1024x5xi32>
    %mul3A_108 = arith.constant 2048 : i32
    %mul3A_109 = arith.muli %arg0, %mul3A_108 : i32
    %add3A = vector.broadcast %mul3A_109 : i32 to vector<1024x5xi32>
    %add3A_110 = arith.addi %convert_element_type3A_107, %add3A : vector<1024x5xi32>
    %transpose3A_111 = tpu.transpose %add3A_110, [1, 0] : vector<1024x5xi32> -> vector<5x1024xi32>
    %swap3A_112 = arith.constant 0 : index
    %swap3A_113 = arith.constant 0 : index
    %swap3A_114 = arith.constant 0 : index
    %swap3A_115 = vector.load %arg5[%swap3A_112, %swap3A_113, %swap3A_114] : memref<1x5x1024xi32, #tpu.memory_space<vmem>>, vector<1x5x1024xi32>
    %swap3A_116 = vector.shape_cast %swap3A_115 : vector<1x5x1024xi32> to vector<5x1024xi32>
    %swap3A_117 = vector.shape_cast %transpose3A_111 : vector<5x1024xi32> to vector<1x5x1024xi32>
    tpu.vector_store %arg5[%swap3A_112, %swap3A_113, %swap3A_114], %swap3A_117 {strides = array<i32>} : memref<1x5x1024xi32, #tpu.memory_space<vmem>>, vector<1x5x1024xi32>,
    return
  }
  func.func @transform_0(%arg0: i32, %arg1: i32) -> (i32, i32, i32) {
    %add3A = arith.constant 4 : i32
    %add3A_0 = arith.addi %add3A, %arg0 : i32
    %c0_i32 = arith.constant 0 : i32
    %c0_i32_1 = arith.constant 0 : i32
    return %add3A_0, %c0_i32, %arg1 : i32, i32, i32
  }
  func.func @transform_1(%arg0: i32, %arg1: i32) -> (i32, i32, i32) {
    %add3A = arith.constant 4 : i32
    %add3A_0 = arith.addi %add3A, %arg0 : i32
    %c0_i32 = arith.constant 0 : i32
    %c0_i32_1 = arith.constant 0 : i32
    %c0_i32_2 = arith.constant 0 : i32
    return %add3A_0, %c0_i32, %c0_i32_1 : i32, i32, i32
  }
  func.func @transform_2(%arg0: i32, %arg1: i32) -> (i32, i32, i32) {
    %add3A = arith.constant 4 : i32
    %add3A_0 = arith.addi %add3A, %arg0 : i32
    %c0_i32 = arith.constant 0 : i32
    %c0_i32_1 = arith.constant 0 : i32
    return %add3A_0, %c0_i32, %arg1 : i32, i32, i32
  }
  func.func @transform_3(%arg0: i32, %arg1: i32) -> (i32, i32, i32) {
    %c0_i32 = arith.constant 0 : i32
    %c0_i32_0 = arith.constant 0 : i32
    return %arg0, %c0_i32, %arg1 : i32, i32, i32
  }
  func.func @transform_4(%arg0: i32, %arg1: i32) -> (i32, i32, i32) {
    %c0_i32 = arith.constant 0 : i32
    %c0_i32_0 = arith.constant 0 : i32
    return %arg0, %arg1, %c0_i32 : i32, i32, i32
  }
}

module attributes {stable_mosaic.version = 14 : i64} {
  func.func @_head_body(%arg0: i32, %arg1: i32, %arg2: memref<1x5x1024x128xf32, #tpu.memory_space<vmem>>, %arg3: memref<1x1024x128xf32, #tpu.memory_space<vmem>>, %arg4: memref<1x1x1024xf32, #tpu.memory_space<vmem>>, %arg5: memref<64x256xf32, #tpu.memory_space<vmem>>, %arg6: memref<3x256xf32, #tpu.memory_space<vmem>>, %arg7: memref<1x256xf32, #tpu.memory_space<vmem>>, %arg8: memref<256x128xf32, #tpu.memory_space<vmem>>, %arg9: memref<1x128xf32, #tpu.memory_space<vmem>>, %arg10: memref<1024x1024xf32, #tpu.memory_space<vmem>>, %arg11: memref<64x1024xf32, #tpu.memory_space<vmem>>, %arg12: memref<128x1024xf32, #tpu.memory_space<vmem>>, %arg13: memref<3x1024xf32, #tpu.memory_space<vmem>>, %arg14: memref<1x1024xf32, #tpu.memory_space<vmem>>, %arg15: memref<1024x256xf32, #tpu.memory_space<vmem>>, %arg16: memref<1x256xf32, #tpu.memory_space<vmem>>, %arg17: memref<256x1xf32, #tpu.memory_space<vmem>>, %arg18: memref<1x1xf32, #tpu.memory_space<vmem>>, %arg19: memref<1x1x1024xf32, #tpu.memory_space<vmem>>, %arg20: memref<1x1024xf32, #tpu.memory_space<vmem>>) attributes {dimension_semantics = [#tpu.dimension_semantics<parallel>, #tpu.dimension_semantics<arbitrary>], iteration_bounds = array<i64: 4, 2>, scalar_prefetch = 0 : i64, scratch_operands = 1 : i64, tpu.core_type = #tpu.core_type<tc>, window_params = [{transform_indices = @transform_0, window_bounds = array<i64: 1, 5, 1024, 128>}, {transform_indices = @transform_1, window_bounds = array<i64: 1, 1024, 128>}, {transform_indices = @transform_2, window_bounds = array<i64: 1, 1, 1024>}, {pipeline_mode = #tpu.pipeline_mode<synchronous>, transform_indices = @transform_3, window_bounds = array<i64: 64, 256>}, {pipeline_mode = #tpu.pipeline_mode<synchronous>, transform_indices = @transform_4, window_bounds = array<i64: 3, 256>}, {pipeline_mode = #tpu.pipeline_mode<synchronous>, transform_indices = @transform_5, window_bounds = array<i64: 1, 256>}, {pipeline_mode = #tpu.pipeline_mode<synchronous>, transform_indices = @transform_6, window_bounds = array<i64: 256, 128>}, {pipeline_mode = #tpu.pipeline_mode<synchronous>, transform_indices = @transform_7, window_bounds = array<i64: 1, 128>}, {pipeline_mode = #tpu.pipeline_mode<synchronous>, transform_indices = @transform_8, window_bounds = array<i64: 1024, 1024>}, {pipeline_mode = #tpu.pipeline_mode<synchronous>, transform_indices = @transform_9, window_bounds = array<i64: 64, 1024>}, {pipeline_mode = #tpu.pipeline_mode<synchronous>, transform_indices = @transform_10, window_bounds = array<i64: 128, 1024>}, {pipeline_mode = #tpu.pipeline_mode<synchronous>, transform_indices = @transform_11, window_bounds = array<i64: 3, 1024>}, {pipeline_mode = #tpu.pipeline_mode<synchronous>, transform_indices = @transform_12, window_bounds = array<i64: 1, 1024>}, {pipeline_mode = #tpu.pipeline_mode<synchronous>, transform_indices = @transform_13, window_bounds = array<i64: 1024, 256>}, {pipeline_mode = #tpu.pipeline_mode<synchronous>, transform_indices = @transform_14, window_bounds = array<i64: 1, 256>}, {pipeline_mode = #tpu.pipeline_mode<synchronous>, transform_indices = @transform_15, window_bounds = array<i64: 256, 1>}, {pipeline_mode = #tpu.pipeline_mode<synchronous>, transform_indices = @transform_16, window_bounds = array<i64: 1, 1>}, {transform_indices = @transform_17, window_bounds = array<i64: 1, 1, 1024>}]} {
    %eq3A = arith.constant 0 : i32
    %eq3A_0 = arith.cmpi eq, %arg1, %eq3A : i32
    %convert_element_type3A = arith.extui %eq3A_0 : i1 to i32
    %cond3A = arith.constant 0 : i32
    %cond3A_1 = arith.cmpi ne, %convert_element_type3A, %cond3A : i32
    scf.if %cond3A_1 {
      %get3A_116 = arith.constant 0 : index
      %get3A_117 = arith.constant 0 : index
      %get3A_118 = arith.constant 0 : index
      %get3A_119 = vector.load %arg4[%get3A_116, %get3A_117, %get3A_118] : memref<1x1x1024xf32, #tpu.memory_space<vmem>>, vector<1x1x1024xf32>
      %get3A_120 = vector.shape_cast %get3A_119 : vector<1x1x1024xf32> to vector<1x1024xf32>
      %get3A_121 = arith.constant 0 : index
      %get3A_122 = arith.constant 0 : index
      %get3A_123 = vector.load %arg10[%get3A_121, %get3A_122] : memref<1024x1024xf32, #tpu.memory_space<vmem>>, vector<1024x1024xf32>
      %dot_general3A_124 = arith.constant dense<0.000000e+00> : vector<1x1024xf32>
      %dot_general3A_125 = tpu.matmul %get3A_120, %get3A_123, %dot_general3A_124 {dimension_numbers = #tpu.dot_dimension_numbers<[1], [0], [0], [1], [0, 0, 1, 1], [], []>, transpose_lhs_hint = false} : vector<1x1024xf32>, vector<1024x1024xf32>, vector<1x1024xf32> -> vector<1x1024xf32>
      %get3A_126 = arith.constant 0 : index
      %get3A_127 = arith.constant 0 : index
      %get3A_128 = vector.load %arg14[%get3A_126, %get3A_127] : memref<1x1024xf32, #tpu.memory_space<vmem>>, vector<1x1024xf32>
      %add3A_129 = arith.addf %dot_general3A_125, %get3A_128 : vector<1x1024xf32>
      %swap3A_130 = arith.constant 0 : index
      %swap3A_131 = arith.constant 0 : index
      %swap3A_132 = vector.load %arg20[%swap3A_130, %swap3A_131] : memref<1x1024xf32, #tpu.memory_space<vmem>>, vector<1x1024xf32>
      tpu.vector_store %arg20[%swap3A_130, %swap3A_131], %add3A_129 {strides = array<i32>} : memref<1x1024xf32, #tpu.memory_space<vmem>>, vector<1x1024xf32>,
    } else {
    }
    %get3A = arith.constant 0 : index
    %get3A_2 = arith.constant 0 : index
    %get3A_3 = arith.constant 0 : index
    %get3A_4 = arith.constant 0 : index
    %get3A_5 = vector.load %arg2[%get3A, %get3A_2, %get3A_3, %get3A_4] : memref<1x5x1024x128xf32, #tpu.memory_space<vmem>>, vector<1x5x1024x128xf32>
    %get3A_6 = vector.shape_cast %get3A_5 : vector<1x5x1024x128xf32> to vector<5x1024x128xf32>
    %reshape3A = vector.shape_cast %get3A_6 : vector<5x1024x128xf32> to vector<5120x128xf32>
    %get3A_7 = arith.constant 0 : index
    %get3A_8 = arith.constant 0 : index
    %get3A_9 = arith.constant 0 : index
    %get3A_10 = vector.load %arg3[%get3A_7, %get3A_8, %get3A_9] : memref<1x1024x128xf32, #tpu.memory_space<vmem>>, vector<1x1024x128xf32>
    %get3A_11 = vector.shape_cast %get3A_10 : vector<1x1024x128xf32> to vector<1024x128xf32>
    %slice3A = vector.extract_strided_slice %get3A_11 {offsets = [0, 64], sizes = [1024, 3], strides = [1, 1]} : vector<1024x128xf32> to vector<1024x3xf32>
    %slice3A_12 = vector.extract_strided_slice %get3A_11 {offsets = [0, 0], sizes = [1024, 64], strides = [1, 1]} : vector<1024x128xf32> to vector<1024x64xf32>
    %slice3A_13 = vector.extract_strided_slice %reshape3A {offsets = [0, 0], sizes = [5120, 64], strides = [1, 1]} : vector<5120x128xf32> to vector<5120x64xf32>
    %slice3A_14 = vector.extract_strided_slice %reshape3A {offsets = [0, 64], sizes = [5120, 3], strides = [1, 1]} : vector<5120x128xf32> to vector<5120x3xf32>
    %slice3A_15 = vector.extract_strided_slice %slice3A_14 {offsets = [0, 0], sizes = [1024, 3], strides = [1, 1]} : vector<5120x3xf32> to vector<1024x3xf32>
    %tile3A = tpu.concatenate %slice3A, %slice3A, %slice3A, %slice3A in 0 : vector<1024x3xf32>, vector<1024x3xf32>, vector<1024x3xf32>, vector<1024x3xf32> -> vector<4096x3xf32>
    %concatenate3A = tpu.concatenate %slice3A_15, %tile3A in 0 : vector<1024x3xf32>, vector<4096x3xf32> -> vector<5120x3xf32>
    %broadcast_in_dim3A = arith.constant 0.000000e+00 : f32
    %broadcast_in_dim3A_16 = vector.broadcast %broadcast_in_dim3A : f32 to vector<1024x3xf32>
    %slice3A_17 = vector.extract_strided_slice %slice3A_14 {offsets = [1024, 0], sizes = [4096, 3], strides = [1, 1]} : vector<5120x3xf32> to vector<4096x3xf32>
    %concatenate3A_18 = tpu.concatenate %broadcast_in_dim3A_16, %slice3A_17 in 0 : vector<1024x3xf32>, vector<4096x3xf32> -> vector<5120x3xf32>
    %sub3A = arith.subf %concatenate3A, %concatenate3A_18 : vector<5120x3xf32>
    %get3A_19 = arith.constant 0 : index
    %get3A_20 = arith.constant 0 : index
    %get3A_21 = vector.load %arg5[%get3A_19, %get3A_20] : memref<64x256xf32, #tpu.memory_space<vmem>>, vector<64x256xf32>
    %dot_general3A = arith.constant dense<0.000000e+00> : vector<5120x256xf32>
    %dot_general3A_22 = tpu.matmul %slice3A_13, %get3A_21, %dot_general3A {dimension_numbers = #tpu.dot_dimension_numbers<[1], [0], [0], [1], [0, 0, 1, 1], [], []>, transpose_lhs_hint = false} : vector<5120x64xf32>, vector<64x256xf32>, vector<5120x256xf32> -> vector<5120x256xf32>
    %get3A_23 = arith.constant 0 : index
    %get3A_24 = arith.constant 0 : index
    %get3A_25 = vector.load %arg6[%get3A_23, %get3A_24] : memref<3x256xf32, #tpu.memory_space<vmem>>, vector<3x256xf32>
    %dot_general3A_26 = arith.constant dense<0.000000e+00> : vector<5120x256xf32>
    %dot_general3A_27 = tpu.matmul %sub3A, %get3A_25, %dot_general3A_26 {dimension_numbers = #tpu.dot_dimension_numbers<[1], [0], [0], [1], [0, 0, 1, 1], [], []>, transpose_lhs_hint = false} : vector<5120x3xf32>, vector<3x256xf32>, vector<5120x256xf32> -> vector<5120x256xf32>
    %add3A = arith.addf %dot_general3A_22, %dot_general3A_27 : vector<5120x256xf32>
    %get3A_28 = arith.constant 0 : index
    %get3A_29 = arith.constant 0 : index
    %get3A_30 = vector.load %arg7[%get3A_28, %get3A_29] : memref<1x256xf32, #tpu.memory_space<vmem>>, vector<1x256xf32>
    %add3A_31 = vector.broadcast %get3A_30 : vector<1x256xf32> to vector<5120x256xf32>
    %add3A_32 = arith.addf %add3A, %add3A_31 : vector<5120x256xf32>
    %ge3A = arith.constant 0.000000e+00 : f32
    %ge3A_33 = vector.broadcast %ge3A : f32 to vector<5120x256xf32>
    %ge3A_34 = arith.cmpf oge, %add3A_32, %ge3A_33 : vector<5120x256xf32>
    %mul3A = arith.constant 0.00999999977 : f32
    %mul3A_35 = vector.broadcast %mul3A : f32 to vector<5120x256xf32>
    %mul3A_36 = arith.mulf %mul3A_35, %add3A_32 : vector<5120x256xf32>
    %select_n3A = arith.select %ge3A_34, %add3A_32, %mul3A_36 : vector<5120x256xi1>, vector<5120x256xf32>
    %get3A_37 = arith.constant 0 : index
    %get3A_38 = arith.constant 0 : index
    %get3A_39 = vector.load %arg8[%get3A_37, %get3A_38] : memref<256x128xf32, #tpu.memory_space<vmem>>, vector<256x128xf32>
    %dot_general3A_40 = arith.constant dense<0.000000e+00> : vector<5120x128xf32>
    %dot_general3A_41 = tpu.matmul %select_n3A, %get3A_39, %dot_general3A_40 {dimension_numbers = #tpu.dot_dimension_numbers<[1], [0], [0], [1], [0, 0, 1, 1], [], []>, transpose_lhs_hint = false} : vector<5120x256xf32>, vector<256x128xf32>, vector<5120x128xf32> -> vector<5120x128xf32>
    %slice3A_42 = vector.extract_strided_slice %dot_general3A_41 {offsets = [0, 0], sizes = [1024, 128], strides = [1, 1]} : vector<5120x128xf32> to vector<1024x128xf32>
    %slice3A_43 = vector.extract_strided_slice %dot_general3A_41 {offsets = [1024, 0], sizes = [1024, 128], strides = [1, 1]} : vector<5120x128xf32> to vector<1024x128xf32>
    %max3A = arith.maximumf %slice3A_42, %slice3A_43 : vector<1024x128xf32>
    %slice3A_44 = vector.extract_strided_slice %dot_general3A_41 {offsets = [2048, 0], sizes = [1024, 128], strides = [1, 1]} : vector<5120x128xf32> to vector<1024x128xf32>
    %slice3A_45 = vector.extract_strided_slice %dot_general3A_41 {offsets = [3072, 0], sizes = [1024, 128], strides = [1, 1]} : vector<5120x128xf32> to vector<1024x128xf32>
    %max3A_46 = arith.maximumf %slice3A_44, %slice3A_45 : vector<1024x128xf32>
    %max3A_47 = arith.maximumf %max3A, %max3A_46 : vector<1024x128xf32>
    %slice3A_48 = vector.extract_strided_slice %dot_general3A_41 {offsets = [4096, 0], sizes = [1024, 128], strides = [1, 1]} : vector<5120x128xf32> to vector<1024x128xf32>
    %max3A_49 = arith.maximumf %max3A_47, %slice3A_48 : vector<1024x128xf32>
    %get3A_50 = arith.constant 0 : index
    %get3A_51 = arith.constant 0 : index
    %get3A_52 = vector.load %arg9[%get3A_50, %get3A_51] : memref<1x128xf32, #tpu.memory_space<vmem>>, vector<1x128xf32>
    %add3A_53 = vector.broadcast %get3A_52 : vector<1x128xf32> to vector<1024x128xf32>
    %add3A_54 = arith.addf %max3A_49, %add3A_53 : vector<1024x128xf32>
    %get3A_55 = arith.constant 0 : index
    %get3A_56 = arith.constant 0 : index
    %get3A_57 = vector.load %arg20[%get3A_55, %get3A_56] : memref<1x1024xf32, #tpu.memory_space<vmem>>, vector<1x1024xf32>
    %get3A_58 = arith.constant 0 : index
    %get3A_59 = arith.constant 0 : index
    %get3A_60 = vector.load %arg11[%get3A_58, %get3A_59] : memref<64x1024xf32, #tpu.memory_space<vmem>>, vector<64x1024xf32>
    %dot_general3A_61 = arith.constant dense<0.000000e+00> : vector<1024x1024xf32>
    %dot_general3A_62 = tpu.matmul %slice3A_12, %get3A_60, %dot_general3A_61 {dimension_numbers = #tpu.dot_dimension_numbers<[1], [0], [0], [1], [0, 0, 1, 1], [], []>, transpose_lhs_hint = false} : vector<1024x64xf32>, vector<64x1024xf32>, vector<1024x1024xf32> -> vector<1024x1024xf32>
    %add3A_63 = vector.broadcast %get3A_57 : vector<1x1024xf32> to vector<1024x1024xf32>
    %add3A_64 = arith.addf %add3A_63, %dot_general3A_62 : vector<1024x1024xf32>
    %get3A_65 = arith.constant 0 : index
    %get3A_66 = arith.constant 0 : index
    %get3A_67 = vector.load %arg12[%get3A_65, %get3A_66] : memref<128x1024xf32, #tpu.memory_space<vmem>>, vector<128x1024xf32>
    %dot_general3A_68 = arith.constant dense<0.000000e+00> : vector<1024x1024xf32>
    %dot_general3A_69 = tpu.matmul %add3A_54, %get3A_67, %dot_general3A_68 {dimension_numbers = #tpu.dot_dimension_numbers<[1], [0], [0], [1], [0, 0, 1, 1], [], []>, transpose_lhs_hint = false} : vector<1024x128xf32>, vector<128x1024xf32>, vector<1024x1024xf32> -> vector<1024x1024xf32>
    %add3A_70 = arith.addf %add3A_64, %dot_general3A_69 : vector<1024x1024xf32>
    %get3A_71 = arith.constant 0 : index
    %get3A_72 = arith.constant 0 : index
    %get3A_73 = vector.load %arg13[%get3A_71, %get3A_72] : memref<3x1024xf32, #tpu.memory_space<vmem>>, vector<3x1024xf32>
    %dot_general3A_74 = arith.constant dense<0.000000e+00> : vector<1024x1024xf32>
    %dot_general3A_75 = tpu.matmul %slice3A, %get3A_73, %dot_general3A_74 {dimension_numbers = #tpu.dot_dimension_numbers<[1], [0], [0], [1], [0, 0, 1, 1], [], []>, transpose_lhs_hint = false} : vector<1024x3xf32>, vector<3x1024xf32>, vector<1024x1024xf32> -> vector<1024x1024xf32>
    %add3A_76 = arith.addf %add3A_70, %dot_general3A_75 : vector<1024x1024xf32>
    %ge3A_77 = arith.constant 0.000000e+00 : f32
    %ge3A_78 = vector.broadcast %ge3A_77 : f32 to vector<1024x1024xf32>
    %ge3A_79 = arith.cmpf oge, %add3A_76, %ge3A_78 : vector<1024x1024xf32>
    %mul3A_80 = arith.constant 0.00999999977 : f32
    %mul3A_81 = vector.broadcast %mul3A_80 : f32 to vector<1024x1024xf32>
    %mul3A_82 = arith.mulf %mul3A_81, %add3A_76 : vector<1024x1024xf32>
    %select_n3A_83 = arith.select %ge3A_79, %add3A_76, %mul3A_82 : vector<1024x1024xi1>, vector<1024x1024xf32>
    %get3A_84 = arith.constant 0 : index
    %get3A_85 = arith.constant 0 : index
    %get3A_86 = vector.load %arg15[%get3A_84, %get3A_85] : memref<1024x256xf32, #tpu.memory_space<vmem>>, vector<1024x256xf32>
    %dot_general3A_87 = arith.constant dense<0.000000e+00> : vector<1024x256xf32>
    %dot_general3A_88 = tpu.matmul %select_n3A_83, %get3A_86, %dot_general3A_87 {dimension_numbers = #tpu.dot_dimension_numbers<[1], [0], [0], [1], [0, 0, 1, 1], [], []>, transpose_lhs_hint = false} : vector<1024x1024xf32>, vector<1024x256xf32>, vector<1024x256xf32> -> vector<1024x256xf32>
    %get3A_89 = arith.constant 0 : index
    %get3A_90 = arith.constant 0 : index
    %get3A_91 = vector.load %arg16[%get3A_89, %get3A_90] : memref<1x256xf32, #tpu.memory_space<vmem>>, vector<1x256xf32>
    %add3A_92 = vector.broadcast %get3A_91 : vector<1x256xf32> to vector<1024x256xf32>
    %add3A_93 = arith.addf %dot_general3A_88, %add3A_92 : vector<1024x256xf32>
    %ge3A_94 = arith.constant 0.000000e+00 : f32
    %ge3A_95 = vector.broadcast %ge3A_94 : f32 to vector<1024x256xf32>
    %ge3A_96 = arith.cmpf oge, %add3A_93, %ge3A_95 : vector<1024x256xf32>
    %mul3A_97 = arith.constant 0.00999999977 : f32
    %mul3A_98 = vector.broadcast %mul3A_97 : f32 to vector<1024x256xf32>
    %mul3A_99 = arith.mulf %mul3A_98, %add3A_93 : vector<1024x256xf32>
    %select_n3A_100 = arith.select %ge3A_96, %add3A_93, %mul3A_99 : vector<1024x256xi1>, vector<1024x256xf32>
    %get3A_101 = arith.constant 0 : index
    %get3A_102 = arith.constant 0 : index
    %get3A_103 = vector.load %arg17[%get3A_101, %get3A_102] : memref<256x1xf32, #tpu.memory_space<vmem>>, vector<256x1xf32>
    %dot_general3A_104 = arith.constant dense<0.000000e+00> : vector<1024x1xf32>
    %dot_general3A_105 = tpu.matmul %select_n3A_100, %get3A_103, %dot_general3A_104 {dimension_numbers = #tpu.dot_dimension_numbers<[1], [0], [0], [1], [0, 0, 1, 1], [], []>, transpose_lhs_hint = false} : vector<1024x256xf32>, vector<256x1xf32>, vector<1024x1xf32> -> vector<1024x1xf32>
    %get3A_106 = arith.constant 0 : index
    %get3A_107 = arith.constant 0 : index
    %get3A_108 = vector.load %arg18[%get3A_106, %get3A_107] : memref<1x1xf32, #tpu.memory_space<vmem>>, vector<1x1xf32>
    %add3A_109 = vector.broadcast %get3A_108 : vector<1x1xf32> to vector<1024x1xf32>
    %add3A_110 = arith.addf %dot_general3A_105, %add3A_109 : vector<1024x1xf32>
    %transpose3A = tpu.transpose %add3A_110, [1, 0] : vector<1024x1xf32> -> vector<1x1024xf32>
    %swap3A = arith.constant 0 : index
    %swap3A_111 = arith.constant 0 : index
    %swap3A_112 = arith.constant 0 : index
    %swap3A_113 = vector.load %arg19[%swap3A, %swap3A_111, %swap3A_112] : memref<1x1x1024xf32, #tpu.memory_space<vmem>>, vector<1x1x1024xf32>
    %swap3A_114 = vector.shape_cast %swap3A_113 : vector<1x1x1024xf32> to vector<1x1024xf32>
    %swap3A_115 = vector.shape_cast %transpose3A : vector<1x1024xf32> to vector<1x1x1024xf32>
    tpu.vector_store %arg19[%swap3A, %swap3A_111, %swap3A_112], %swap3A_115 {strides = array<i32>} : memref<1x1x1024xf32, #tpu.memory_space<vmem>>, vector<1x1x1024xf32>,
    return
  }
  func.func @transform_0(%arg0: i32, %arg1: i32) -> (i32, i32, i32, i32) {
    %c0_i32 = arith.constant 0 : i32
    %c0_i32_0 = arith.constant 0 : i32
    %c0_i32_1 = arith.constant 0 : i32
    return %arg0, %c0_i32, %arg1, %c0_i32_0 : i32, i32, i32, i32
  }
  func.func @transform_1(%arg0: i32, %arg1: i32) -> (i32, i32, i32) {
    %c0_i32 = arith.constant 0 : i32
    %c0_i32_0 = arith.constant 0 : i32
    return %arg0, %arg1, %c0_i32 : i32, i32, i32
  }
  func.func @transform_2(%arg0: i32, %arg1: i32) -> (i32, i32, i32) {
    %add3A = arith.constant 0 : i32
    %add3A_0 = arith.addi %add3A, %arg0 : i32
    %c0_i32 = arith.constant 0 : i32
    %c0_i32_1 = arith.constant 0 : i32
    %c0_i32_2 = arith.constant 0 : i32
    return %add3A_0, %c0_i32, %c0_i32_1 : i32, i32, i32
  }
  func.func @transform_3(%arg0: i32, %arg1: i32) -> (i32, i32) {
    %c0_i32 = arith.constant 0 : i32
    %c0_i32_0 = arith.constant 0 : i32
    %c0_i32_1 = arith.constant 0 : i32
    return %c0_i32, %c0_i32_0 : i32, i32
  }
  func.func @transform_4(%arg0: i32, %arg1: i32) -> (i32, i32) {
    %c0_i32 = arith.constant 0 : i32
    %c0_i32_0 = arith.constant 0 : i32
    %c0_i32_1 = arith.constant 0 : i32
    return %c0_i32, %c0_i32_0 : i32, i32
  }
  func.func @transform_5(%arg0: i32, %arg1: i32) -> (i32, i32) {
    %c0_i32 = arith.constant 0 : i32
    %c0_i32_0 = arith.constant 0 : i32
    %c0_i32_1 = arith.constant 0 : i32
    return %c0_i32, %c0_i32_0 : i32, i32
  }
  func.func @transform_6(%arg0: i32, %arg1: i32) -> (i32, i32) {
    %c0_i32 = arith.constant 0 : i32
    %c0_i32_0 = arith.constant 0 : i32
    %c0_i32_1 = arith.constant 0 : i32
    return %c0_i32, %c0_i32_0 : i32, i32
  }
  func.func @transform_7(%arg0: i32, %arg1: i32) -> (i32, i32) {
    %c0_i32 = arith.constant 0 : i32
    %c0_i32_0 = arith.constant 0 : i32
    %c0_i32_1 = arith.constant 0 : i32
    return %c0_i32, %c0_i32_0 : i32, i32
  }
  func.func @transform_8(%arg0: i32, %arg1: i32) -> (i32, i32) {
    %c0_i32 = arith.constant 0 : i32
    %c0_i32_0 = arith.constant 0 : i32
    %c0_i32_1 = arith.constant 0 : i32
    return %c0_i32, %c0_i32_0 : i32, i32
  }
  func.func @transform_9(%arg0: i32, %arg1: i32) -> (i32, i32) {
    %c0_i32 = arith.constant 0 : i32
    %c0_i32_0 = arith.constant 0 : i32
    %c0_i32_1 = arith.constant 0 : i32
    return %c0_i32, %c0_i32_0 : i32, i32
  }
  func.func @transform_10(%arg0: i32, %arg1: i32) -> (i32, i32) {
    %c0_i32 = arith.constant 0 : i32
    %c0_i32_0 = arith.constant 0 : i32
    %c0_i32_1 = arith.constant 0 : i32
    return %c0_i32, %c0_i32_0 : i32, i32
  }
  func.func @transform_11(%arg0: i32, %arg1: i32) -> (i32, i32) {
    %c0_i32 = arith.constant 0 : i32
    %c0_i32_0 = arith.constant 0 : i32
    %c0_i32_1 = arith.constant 0 : i32
    return %c0_i32, %c0_i32_0 : i32, i32
  }
  func.func @transform_12(%arg0: i32, %arg1: i32) -> (i32, i32) {
    %c0_i32 = arith.constant 0 : i32
    %c0_i32_0 = arith.constant 0 : i32
    %c0_i32_1 = arith.constant 0 : i32
    return %c0_i32, %c0_i32_0 : i32, i32
  }
  func.func @transform_13(%arg0: i32, %arg1: i32) -> (i32, i32) {
    %c0_i32 = arith.constant 0 : i32
    %c0_i32_0 = arith.constant 0 : i32
    %c0_i32_1 = arith.constant 0 : i32
    return %c0_i32, %c0_i32_0 : i32, i32
  }
  func.func @transform_14(%arg0: i32, %arg1: i32) -> (i32, i32) {
    %c0_i32 = arith.constant 0 : i32
    %c0_i32_0 = arith.constant 0 : i32
    %c0_i32_1 = arith.constant 0 : i32
    return %c0_i32, %c0_i32_0 : i32, i32
  }
  func.func @transform_15(%arg0: i32, %arg1: i32) -> (i32, i32) {
    %c0_i32 = arith.constant 0 : i32
    %c0_i32_0 = arith.constant 0 : i32
    %c0_i32_1 = arith.constant 0 : i32
    return %c0_i32, %c0_i32_0 : i32, i32
  }
  func.func @transform_16(%arg0: i32, %arg1: i32) -> (i32, i32) {
    %c0_i32 = arith.constant 0 : i32
    %c0_i32_0 = arith.constant 0 : i32
    %c0_i32_1 = arith.constant 0 : i32
    return %c0_i32, %c0_i32_0 : i32, i32
  }
  func.func @transform_17(%arg0: i32, %arg1: i32) -> (i32, i32, i32) {
    %c0_i32 = arith.constant 0 : i32
    %c0_i32_0 = arith.constant 0 : i32
    return %arg0, %c0_i32, %arg1 : i32, i32, i32
  }
}

module attributes {stable_mosaic.version = 14 : i64} {
  func.func @_head_body(%arg0: i32, %arg1: i32, %arg2: memref<1x5x1024x128xf32, #tpu.memory_space<vmem>>, %arg3: memref<1x1024x128xf32, #tpu.memory_space<vmem>>, %arg4: memref<1x1x1024xf32, #tpu.memory_space<vmem>>, %arg5: memref<64x256xf32, #tpu.memory_space<vmem>>, %arg6: memref<3x256xf32, #tpu.memory_space<vmem>>, %arg7: memref<1x256xf32, #tpu.memory_space<vmem>>, %arg8: memref<256x128xf32, #tpu.memory_space<vmem>>, %arg9: memref<1x128xf32, #tpu.memory_space<vmem>>, %arg10: memref<1024x1024xf32, #tpu.memory_space<vmem>>, %arg11: memref<64x1024xf32, #tpu.memory_space<vmem>>, %arg12: memref<128x1024xf32, #tpu.memory_space<vmem>>, %arg13: memref<3x1024xf32, #tpu.memory_space<vmem>>, %arg14: memref<1x1024xf32, #tpu.memory_space<vmem>>, %arg15: memref<1024x256xf32, #tpu.memory_space<vmem>>, %arg16: memref<1x256xf32, #tpu.memory_space<vmem>>, %arg17: memref<256x1xf32, #tpu.memory_space<vmem>>, %arg18: memref<1x1xf32, #tpu.memory_space<vmem>>, %arg19: memref<1x1x1024xf32, #tpu.memory_space<vmem>>, %arg20: memref<1x1024xf32, #tpu.memory_space<vmem>>) attributes {dimension_semantics = [#tpu.dimension_semantics<parallel>, #tpu.dimension_semantics<arbitrary>], iteration_bounds = array<i64: 4, 2>, scalar_prefetch = 0 : i64, scratch_operands = 1 : i64, tpu.core_type = #tpu.core_type<tc>, window_params = [{transform_indices = @transform_0, window_bounds = array<i64: 1, 5, 1024, 128>}, {transform_indices = @transform_1, window_bounds = array<i64: 1, 1024, 128>}, {transform_indices = @transform_2, window_bounds = array<i64: 1, 1, 1024>}, {pipeline_mode = #tpu.pipeline_mode<synchronous>, transform_indices = @transform_3, window_bounds = array<i64: 64, 256>}, {pipeline_mode = #tpu.pipeline_mode<synchronous>, transform_indices = @transform_4, window_bounds = array<i64: 3, 256>}, {pipeline_mode = #tpu.pipeline_mode<synchronous>, transform_indices = @transform_5, window_bounds = array<i64: 1, 256>}, {pipeline_mode = #tpu.pipeline_mode<synchronous>, transform_indices = @transform_6, window_bounds = array<i64: 256, 128>}, {pipeline_mode = #tpu.pipeline_mode<synchronous>, transform_indices = @transform_7, window_bounds = array<i64: 1, 128>}, {pipeline_mode = #tpu.pipeline_mode<synchronous>, transform_indices = @transform_8, window_bounds = array<i64: 1024, 1024>}, {pipeline_mode = #tpu.pipeline_mode<synchronous>, transform_indices = @transform_9, window_bounds = array<i64: 64, 1024>}, {pipeline_mode = #tpu.pipeline_mode<synchronous>, transform_indices = @transform_10, window_bounds = array<i64: 128, 1024>}, {pipeline_mode = #tpu.pipeline_mode<synchronous>, transform_indices = @transform_11, window_bounds = array<i64: 3, 1024>}, {pipeline_mode = #tpu.pipeline_mode<synchronous>, transform_indices = @transform_12, window_bounds = array<i64: 1, 1024>}, {pipeline_mode = #tpu.pipeline_mode<synchronous>, transform_indices = @transform_13, window_bounds = array<i64: 1024, 256>}, {pipeline_mode = #tpu.pipeline_mode<synchronous>, transform_indices = @transform_14, window_bounds = array<i64: 1, 256>}, {pipeline_mode = #tpu.pipeline_mode<synchronous>, transform_indices = @transform_15, window_bounds = array<i64: 256, 1>}, {pipeline_mode = #tpu.pipeline_mode<synchronous>, transform_indices = @transform_16, window_bounds = array<i64: 1, 1>}, {transform_indices = @transform_17, window_bounds = array<i64: 1, 1, 1024>}]} {
    %eq3A = arith.constant 0 : i32
    %eq3A_0 = arith.cmpi eq, %arg1, %eq3A : i32
    %convert_element_type3A = arith.extui %eq3A_0 : i1 to i32
    %cond3A = arith.constant 0 : i32
    %cond3A_1 = arith.cmpi ne, %convert_element_type3A, %cond3A : i32
    scf.if %cond3A_1 {
      %get3A_116 = arith.constant 0 : index
      %get3A_117 = arith.constant 0 : index
      %get3A_118 = arith.constant 0 : index
      %get3A_119 = vector.load %arg4[%get3A_116, %get3A_117, %get3A_118] : memref<1x1x1024xf32, #tpu.memory_space<vmem>>, vector<1x1x1024xf32>
      %get3A_120 = vector.shape_cast %get3A_119 : vector<1x1x1024xf32> to vector<1x1024xf32>
      %get3A_121 = arith.constant 0 : index
      %get3A_122 = arith.constant 0 : index
      %get3A_123 = vector.load %arg10[%get3A_121, %get3A_122] : memref<1024x1024xf32, #tpu.memory_space<vmem>>, vector<1024x1024xf32>
      %dot_general3A_124 = arith.constant dense<0.000000e+00> : vector<1x1024xf32>
      %dot_general3A_125 = tpu.matmul %get3A_120, %get3A_123, %dot_general3A_124 {dimension_numbers = #tpu.dot_dimension_numbers<[1], [0], [0], [1], [0, 0, 1, 1], [], []>, transpose_lhs_hint = false} : vector<1x1024xf32>, vector<1024x1024xf32>, vector<1x1024xf32> -> vector<1x1024xf32>
      %get3A_126 = arith.constant 0 : index
      %get3A_127 = arith.constant 0 : index
      %get3A_128 = vector.load %arg14[%get3A_126, %get3A_127] : memref<1x1024xf32, #tpu.memory_space<vmem>>, vector<1x1024xf32>
      %add3A_129 = arith.addf %dot_general3A_125, %get3A_128 : vector<1x1024xf32>
      %swap3A_130 = arith.constant 0 : index
      %swap3A_131 = arith.constant 0 : index
      %swap3A_132 = vector.load %arg20[%swap3A_130, %swap3A_131] : memref<1x1024xf32, #tpu.memory_space<vmem>>, vector<1x1024xf32>
      tpu.vector_store %arg20[%swap3A_130, %swap3A_131], %add3A_129 {strides = array<i32>} : memref<1x1024xf32, #tpu.memory_space<vmem>>, vector<1x1024xf32>,
    } else {
    }
    %get3A = arith.constant 0 : index
    %get3A_2 = arith.constant 0 : index
    %get3A_3 = arith.constant 0 : index
    %get3A_4 = arith.constant 0 : index
    %get3A_5 = vector.load %arg2[%get3A, %get3A_2, %get3A_3, %get3A_4] : memref<1x5x1024x128xf32, #tpu.memory_space<vmem>>, vector<1x5x1024x128xf32>
    %get3A_6 = vector.shape_cast %get3A_5 : vector<1x5x1024x128xf32> to vector<5x1024x128xf32>
    %reshape3A = vector.shape_cast %get3A_6 : vector<5x1024x128xf32> to vector<5120x128xf32>
    %get3A_7 = arith.constant 0 : index
    %get3A_8 = arith.constant 0 : index
    %get3A_9 = arith.constant 0 : index
    %get3A_10 = vector.load %arg3[%get3A_7, %get3A_8, %get3A_9] : memref<1x1024x128xf32, #tpu.memory_space<vmem>>, vector<1x1024x128xf32>
    %get3A_11 = vector.shape_cast %get3A_10 : vector<1x1024x128xf32> to vector<1024x128xf32>
    %slice3A = vector.extract_strided_slice %get3A_11 {offsets = [0, 64], sizes = [1024, 3], strides = [1, 1]} : vector<1024x128xf32> to vector<1024x3xf32>
    %slice3A_12 = vector.extract_strided_slice %get3A_11 {offsets = [0, 0], sizes = [1024, 64], strides = [1, 1]} : vector<1024x128xf32> to vector<1024x64xf32>
    %slice3A_13 = vector.extract_strided_slice %reshape3A {offsets = [0, 0], sizes = [5120, 64], strides = [1, 1]} : vector<5120x128xf32> to vector<5120x64xf32>
    %slice3A_14 = vector.extract_strided_slice %reshape3A {offsets = [0, 64], sizes = [5120, 3], strides = [1, 1]} : vector<5120x128xf32> to vector<5120x3xf32>
    %slice3A_15 = vector.extract_strided_slice %slice3A_14 {offsets = [0, 0], sizes = [1024, 3], strides = [1, 1]} : vector<5120x3xf32> to vector<1024x3xf32>
    %tile3A = tpu.concatenate %slice3A, %slice3A, %slice3A, %slice3A in 0 : vector<1024x3xf32>, vector<1024x3xf32>, vector<1024x3xf32>, vector<1024x3xf32> -> vector<4096x3xf32>
    %concatenate3A = tpu.concatenate %slice3A_15, %tile3A in 0 : vector<1024x3xf32>, vector<4096x3xf32> -> vector<5120x3xf32>
    %broadcast_in_dim3A = arith.constant 0.000000e+00 : f32
    %broadcast_in_dim3A_16 = vector.broadcast %broadcast_in_dim3A : f32 to vector<1024x3xf32>
    %slice3A_17 = vector.extract_strided_slice %slice3A_14 {offsets = [1024, 0], sizes = [4096, 3], strides = [1, 1]} : vector<5120x3xf32> to vector<4096x3xf32>
    %concatenate3A_18 = tpu.concatenate %broadcast_in_dim3A_16, %slice3A_17 in 0 : vector<1024x3xf32>, vector<4096x3xf32> -> vector<5120x3xf32>
    %sub3A = arith.subf %concatenate3A, %concatenate3A_18 : vector<5120x3xf32>
    %get3A_19 = arith.constant 0 : index
    %get3A_20 = arith.constant 0 : index
    %get3A_21 = vector.load %arg5[%get3A_19, %get3A_20] : memref<64x256xf32, #tpu.memory_space<vmem>>, vector<64x256xf32>
    %dot_general3A = arith.constant dense<0.000000e+00> : vector<5120x256xf32>
    %dot_general3A_22 = tpu.matmul %slice3A_13, %get3A_21, %dot_general3A {dimension_numbers = #tpu.dot_dimension_numbers<[1], [0], [0], [1], [0, 0, 1, 1], [], []>, transpose_lhs_hint = false} : vector<5120x64xf32>, vector<64x256xf32>, vector<5120x256xf32> -> vector<5120x256xf32>
    %get3A_23 = arith.constant 0 : index
    %get3A_24 = arith.constant 0 : index
    %get3A_25 = vector.load %arg6[%get3A_23, %get3A_24] : memref<3x256xf32, #tpu.memory_space<vmem>>, vector<3x256xf32>
    %dot_general3A_26 = arith.constant dense<0.000000e+00> : vector<5120x256xf32>
    %dot_general3A_27 = tpu.matmul %sub3A, %get3A_25, %dot_general3A_26 {dimension_numbers = #tpu.dot_dimension_numbers<[1], [0], [0], [1], [0, 0, 1, 1], [], []>, transpose_lhs_hint = false} : vector<5120x3xf32>, vector<3x256xf32>, vector<5120x256xf32> -> vector<5120x256xf32>
    %add3A = arith.addf %dot_general3A_22, %dot_general3A_27 : vector<5120x256xf32>
    %get3A_28 = arith.constant 0 : index
    %get3A_29 = arith.constant 0 : index
    %get3A_30 = vector.load %arg7[%get3A_28, %get3A_29] : memref<1x256xf32, #tpu.memory_space<vmem>>, vector<1x256xf32>
    %add3A_31 = vector.broadcast %get3A_30 : vector<1x256xf32> to vector<5120x256xf32>
    %add3A_32 = arith.addf %add3A, %add3A_31 : vector<5120x256xf32>
    %ge3A = arith.constant 0.000000e+00 : f32
    %ge3A_33 = vector.broadcast %ge3A : f32 to vector<5120x256xf32>
    %ge3A_34 = arith.cmpf oge, %add3A_32, %ge3A_33 : vector<5120x256xf32>
    %mul3A = arith.constant 0.00999999977 : f32
    %mul3A_35 = vector.broadcast %mul3A : f32 to vector<5120x256xf32>
    %mul3A_36 = arith.mulf %mul3A_35, %add3A_32 : vector<5120x256xf32>
    %select_n3A = arith.select %ge3A_34, %add3A_32, %mul3A_36 : vector<5120x256xi1>, vector<5120x256xf32>
    %get3A_37 = arith.constant 0 : index
    %get3A_38 = arith.constant 0 : index
    %get3A_39 = vector.load %arg8[%get3A_37, %get3A_38] : memref<256x128xf32, #tpu.memory_space<vmem>>, vector<256x128xf32>
    %dot_general3A_40 = arith.constant dense<0.000000e+00> : vector<5120x128xf32>
    %dot_general3A_41 = tpu.matmul %select_n3A, %get3A_39, %dot_general3A_40 {dimension_numbers = #tpu.dot_dimension_numbers<[1], [0], [0], [1], [0, 0, 1, 1], [], []>, transpose_lhs_hint = false} : vector<5120x256xf32>, vector<256x128xf32>, vector<5120x128xf32> -> vector<5120x128xf32>
    %slice3A_42 = vector.extract_strided_slice %dot_general3A_41 {offsets = [0, 0], sizes = [1024, 128], strides = [1, 1]} : vector<5120x128xf32> to vector<1024x128xf32>
    %slice3A_43 = vector.extract_strided_slice %dot_general3A_41 {offsets = [1024, 0], sizes = [1024, 128], strides = [1, 1]} : vector<5120x128xf32> to vector<1024x128xf32>
    %max3A = arith.maximumf %slice3A_42, %slice3A_43 : vector<1024x128xf32>
    %slice3A_44 = vector.extract_strided_slice %dot_general3A_41 {offsets = [2048, 0], sizes = [1024, 128], strides = [1, 1]} : vector<5120x128xf32> to vector<1024x128xf32>
    %slice3A_45 = vector.extract_strided_slice %dot_general3A_41 {offsets = [3072, 0], sizes = [1024, 128], strides = [1, 1]} : vector<5120x128xf32> to vector<1024x128xf32>
    %max3A_46 = arith.maximumf %slice3A_44, %slice3A_45 : vector<1024x128xf32>
    %max3A_47 = arith.maximumf %max3A, %max3A_46 : vector<1024x128xf32>
    %slice3A_48 = vector.extract_strided_slice %dot_general3A_41 {offsets = [4096, 0], sizes = [1024, 128], strides = [1, 1]} : vector<5120x128xf32> to vector<1024x128xf32>
    %max3A_49 = arith.maximumf %max3A_47, %slice3A_48 : vector<1024x128xf32>
    %get3A_50 = arith.constant 0 : index
    %get3A_51 = arith.constant 0 : index
    %get3A_52 = vector.load %arg9[%get3A_50, %get3A_51] : memref<1x128xf32, #tpu.memory_space<vmem>>, vector<1x128xf32>
    %add3A_53 = vector.broadcast %get3A_52 : vector<1x128xf32> to vector<1024x128xf32>
    %add3A_54 = arith.addf %max3A_49, %add3A_53 : vector<1024x128xf32>
    %get3A_55 = arith.constant 0 : index
    %get3A_56 = arith.constant 0 : index
    %get3A_57 = vector.load %arg20[%get3A_55, %get3A_56] : memref<1x1024xf32, #tpu.memory_space<vmem>>, vector<1x1024xf32>
    %get3A_58 = arith.constant 0 : index
    %get3A_59 = arith.constant 0 : index
    %get3A_60 = vector.load %arg11[%get3A_58, %get3A_59] : memref<64x1024xf32, #tpu.memory_space<vmem>>, vector<64x1024xf32>
    %dot_general3A_61 = arith.constant dense<0.000000e+00> : vector<1024x1024xf32>
    %dot_general3A_62 = tpu.matmul %slice3A_12, %get3A_60, %dot_general3A_61 {dimension_numbers = #tpu.dot_dimension_numbers<[1], [0], [0], [1], [0, 0, 1, 1], [], []>, transpose_lhs_hint = false} : vector<1024x64xf32>, vector<64x1024xf32>, vector<1024x1024xf32> -> vector<1024x1024xf32>
    %add3A_63 = vector.broadcast %get3A_57 : vector<1x1024xf32> to vector<1024x1024xf32>
    %add3A_64 = arith.addf %add3A_63, %dot_general3A_62 : vector<1024x1024xf32>
    %get3A_65 = arith.constant 0 : index
    %get3A_66 = arith.constant 0 : index
    %get3A_67 = vector.load %arg12[%get3A_65, %get3A_66] : memref<128x1024xf32, #tpu.memory_space<vmem>>, vector<128x1024xf32>
    %dot_general3A_68 = arith.constant dense<0.000000e+00> : vector<1024x1024xf32>
    %dot_general3A_69 = tpu.matmul %add3A_54, %get3A_67, %dot_general3A_68 {dimension_numbers = #tpu.dot_dimension_numbers<[1], [0], [0], [1], [0, 0, 1, 1], [], []>, transpose_lhs_hint = false} : vector<1024x128xf32>, vector<128x1024xf32>, vector<1024x1024xf32> -> vector<1024x1024xf32>
    %add3A_70 = arith.addf %add3A_64, %dot_general3A_69 : vector<1024x1024xf32>
    %get3A_71 = arith.constant 0 : index
    %get3A_72 = arith.constant 0 : index
    %get3A_73 = vector.load %arg13[%get3A_71, %get3A_72] : memref<3x1024xf32, #tpu.memory_space<vmem>>, vector<3x1024xf32>
    %dot_general3A_74 = arith.constant dense<0.000000e+00> : vector<1024x1024xf32>
    %dot_general3A_75 = tpu.matmul %slice3A, %get3A_73, %dot_general3A_74 {dimension_numbers = #tpu.dot_dimension_numbers<[1], [0], [0], [1], [0, 0, 1, 1], [], []>, transpose_lhs_hint = false} : vector<1024x3xf32>, vector<3x1024xf32>, vector<1024x1024xf32> -> vector<1024x1024xf32>
    %add3A_76 = arith.addf %add3A_70, %dot_general3A_75 : vector<1024x1024xf32>
    %ge3A_77 = arith.constant 0.000000e+00 : f32
    %ge3A_78 = vector.broadcast %ge3A_77 : f32 to vector<1024x1024xf32>
    %ge3A_79 = arith.cmpf oge, %add3A_76, %ge3A_78 : vector<1024x1024xf32>
    %mul3A_80 = arith.constant 0.00999999977 : f32
    %mul3A_81 = vector.broadcast %mul3A_80 : f32 to vector<1024x1024xf32>
    %mul3A_82 = arith.mulf %mul3A_81, %add3A_76 : vector<1024x1024xf32>
    %select_n3A_83 = arith.select %ge3A_79, %add3A_76, %mul3A_82 : vector<1024x1024xi1>, vector<1024x1024xf32>
    %get3A_84 = arith.constant 0 : index
    %get3A_85 = arith.constant 0 : index
    %get3A_86 = vector.load %arg15[%get3A_84, %get3A_85] : memref<1024x256xf32, #tpu.memory_space<vmem>>, vector<1024x256xf32>
    %dot_general3A_87 = arith.constant dense<0.000000e+00> : vector<1024x256xf32>
    %dot_general3A_88 = tpu.matmul %select_n3A_83, %get3A_86, %dot_general3A_87 {dimension_numbers = #tpu.dot_dimension_numbers<[1], [0], [0], [1], [0, 0, 1, 1], [], []>, transpose_lhs_hint = false} : vector<1024x1024xf32>, vector<1024x256xf32>, vector<1024x256xf32> -> vector<1024x256xf32>
    %get3A_89 = arith.constant 0 : index
    %get3A_90 = arith.constant 0 : index
    %get3A_91 = vector.load %arg16[%get3A_89, %get3A_90] : memref<1x256xf32, #tpu.memory_space<vmem>>, vector<1x256xf32>
    %add3A_92 = vector.broadcast %get3A_91 : vector<1x256xf32> to vector<1024x256xf32>
    %add3A_93 = arith.addf %dot_general3A_88, %add3A_92 : vector<1024x256xf32>
    %ge3A_94 = arith.constant 0.000000e+00 : f32
    %ge3A_95 = vector.broadcast %ge3A_94 : f32 to vector<1024x256xf32>
    %ge3A_96 = arith.cmpf oge, %add3A_93, %ge3A_95 : vector<1024x256xf32>
    %mul3A_97 = arith.constant 0.00999999977 : f32
    %mul3A_98 = vector.broadcast %mul3A_97 : f32 to vector<1024x256xf32>
    %mul3A_99 = arith.mulf %mul3A_98, %add3A_93 : vector<1024x256xf32>
    %select_n3A_100 = arith.select %ge3A_96, %add3A_93, %mul3A_99 : vector<1024x256xi1>, vector<1024x256xf32>
    %get3A_101 = arith.constant 0 : index
    %get3A_102 = arith.constant 0 : index
    %get3A_103 = vector.load %arg17[%get3A_101, %get3A_102] : memref<256x1xf32, #tpu.memory_space<vmem>>, vector<256x1xf32>
    %dot_general3A_104 = arith.constant dense<0.000000e+00> : vector<1024x1xf32>
    %dot_general3A_105 = tpu.matmul %select_n3A_100, %get3A_103, %dot_general3A_104 {dimension_numbers = #tpu.dot_dimension_numbers<[1], [0], [0], [1], [0, 0, 1, 1], [], []>, transpose_lhs_hint = false} : vector<1024x256xf32>, vector<256x1xf32>, vector<1024x1xf32> -> vector<1024x1xf32>
    %get3A_106 = arith.constant 0 : index
    %get3A_107 = arith.constant 0 : index
    %get3A_108 = vector.load %arg18[%get3A_106, %get3A_107] : memref<1x1xf32, #tpu.memory_space<vmem>>, vector<1x1xf32>
    %add3A_109 = vector.broadcast %get3A_108 : vector<1x1xf32> to vector<1024x1xf32>
    %add3A_110 = arith.addf %dot_general3A_105, %add3A_109 : vector<1024x1xf32>
    %transpose3A = tpu.transpose %add3A_110, [1, 0] : vector<1024x1xf32> -> vector<1x1024xf32>
    %swap3A = arith.constant 0 : index
    %swap3A_111 = arith.constant 0 : index
    %swap3A_112 = arith.constant 0 : index
    %swap3A_113 = vector.load %arg19[%swap3A, %swap3A_111, %swap3A_112] : memref<1x1x1024xf32, #tpu.memory_space<vmem>>, vector<1x1x1024xf32>
    %swap3A_114 = vector.shape_cast %swap3A_113 : vector<1x1x1024xf32> to vector<1x1024xf32>
    %swap3A_115 = vector.shape_cast %transpose3A : vector<1x1024xf32> to vector<1x1x1024xf32>
    tpu.vector_store %arg19[%swap3A, %swap3A_111, %swap3A_112], %swap3A_115 {strides = array<i32>} : memref<1x1x1024xf32, #tpu.memory_space<vmem>>, vector<1x1x1024xf32>,
    return
  }
  func.func @transform_0(%arg0: i32, %arg1: i32) -> (i32, i32, i32, i32) {
    %c0_i32 = arith.constant 0 : i32
    %c0_i32_0 = arith.constant 0 : i32
    %c0_i32_1 = arith.constant 0 : i32
    return %arg0, %c0_i32, %arg1, %c0_i32_0 : i32, i32, i32, i32
  }
  func.func @transform_1(%arg0: i32, %arg1: i32) -> (i32, i32, i32) {
    %c0_i32 = arith.constant 0 : i32
    %c0_i32_0 = arith.constant 0 : i32
    return %arg0, %arg1, %c0_i32 : i32, i32, i32
  }
  func.func @transform_2(%arg0: i32, %arg1: i32) -> (i32, i32, i32) {
    %add3A = arith.constant 4 : i32
    %add3A_0 = arith.addi %add3A, %arg0 : i32
    %c0_i32 = arith.constant 0 : i32
    %c0_i32_1 = arith.constant 0 : i32
    %c0_i32_2 = arith.constant 0 : i32
    return %add3A_0, %c0_i32, %c0_i32_1 : i32, i32, i32
  }
  func.func @transform_3(%arg0: i32, %arg1: i32) -> (i32, i32) {
    %c0_i32 = arith.constant 0 : i32
    %c0_i32_0 = arith.constant 0 : i32
    %c0_i32_1 = arith.constant 0 : i32
    return %c0_i32, %c0_i32_0 : i32, i32
  }
  func.func @transform_4(%arg0: i32, %arg1: i32) -> (i32, i32) {
    %c0_i32 = arith.constant 0 : i32
    %c0_i32_0 = arith.constant 0 : i32
    %c0_i32_1 = arith.constant 0 : i32
    return %c0_i32, %c0_i32_0 : i32, i32
  }
  func.func @transform_5(%arg0: i32, %arg1: i32) -> (i32, i32) {
    %c0_i32 = arith.constant 0 : i32
    %c0_i32_0 = arith.constant 0 : i32
    %c0_i32_1 = arith.constant 0 : i32
    return %c0_i32, %c0_i32_0 : i32, i32
  }
  func.func @transform_6(%arg0: i32, %arg1: i32) -> (i32, i32) {
    %c0_i32 = arith.constant 0 : i32
    %c0_i32_0 = arith.constant 0 : i32
    %c0_i32_1 = arith.constant 0 : i32
    return %c0_i32, %c0_i32_0 : i32, i32
  }
  func.func @transform_7(%arg0: i32, %arg1: i32) -> (i32, i32) {
    %c0_i32 = arith.constant 0 : i32
    %c0_i32_0 = arith.constant 0 : i32
    %c0_i32_1 = arith.constant 0 : i32
    return %c0_i32, %c0_i32_0 : i32, i32
  }
  func.func @transform_8(%arg0: i32, %arg1: i32) -> (i32, i32) {
    %c0_i32 = arith.constant 0 : i32
    %c0_i32_0 = arith.constant 0 : i32
    %c0_i32_1 = arith.constant 0 : i32
    return %c0_i32, %c0_i32_0 : i32, i32
  }
  func.func @transform_9(%arg0: i32, %arg1: i32) -> (i32, i32) {
    %c0_i32 = arith.constant 0 : i32
    %c0_i32_0 = arith.constant 0 : i32
    %c0_i32_1 = arith.constant 0 : i32
    return %c0_i32, %c0_i32_0 : i32, i32
  }
  func.func @transform_10(%arg0: i32, %arg1: i32) -> (i32, i32) {
    %c0_i32 = arith.constant 0 : i32
    %c0_i32_0 = arith.constant 0 : i32
    %c0_i32_1 = arith.constant 0 : i32
    return %c0_i32, %c0_i32_0 : i32, i32
  }
  func.func @transform_11(%arg0: i32, %arg1: i32) -> (i32, i32) {
    %c0_i32 = arith.constant 0 : i32
    %c0_i32_0 = arith.constant 0 : i32
    %c0_i32_1 = arith.constant 0 : i32
    return %c0_i32, %c0_i32_0 : i32, i32
  }
  func.func @transform_12(%arg0: i32, %arg1: i32) -> (i32, i32) {
    %c0_i32 = arith.constant 0 : i32
    %c0_i32_0 = arith.constant 0 : i32
    %c0_i32_1 = arith.constant 0 : i32
    return %c0_i32, %c0_i32_0 : i32, i32
  }
  func.func @transform_13(%arg0: i32, %arg1: i32) -> (i32, i32) {
    %c0_i32 = arith.constant 0 : i32
    %c0_i32_0 = arith.constant 0 : i32
    %c0_i32_1 = arith.constant 0 : i32
    return %c0_i32, %c0_i32_0 : i32, i32
  }
  func.func @transform_14(%arg0: i32, %arg1: i32) -> (i32, i32) {
    %c0_i32 = arith.constant 0 : i32
    %c0_i32_0 = arith.constant 0 : i32
    %c0_i32_1 = arith.constant 0 : i32
    return %c0_i32, %c0_i32_0 : i32, i32
  }
  func.func @transform_15(%arg0: i32, %arg1: i32) -> (i32, i32) {
    %c0_i32 = arith.constant 0 : i32
    %c0_i32_0 = arith.constant 0 : i32
    %c0_i32_1 = arith.constant 0 : i32
    return %c0_i32, %c0_i32_0 : i32, i32
  }
  func.func @transform_16(%arg0: i32, %arg1: i32) -> (i32, i32) {
    %c0_i32 = arith.constant 0 : i32
    %c0_i32_0 = arith.constant 0 : i32
    %c0_i32_1 = arith.constant 0 : i32
    return %c0_i32, %c0_i32_0 : i32, i32
  }
  func.func @transform_17(%arg0: i32, %arg1: i32) -> (i32, i32, i32) {
    %c0_i32 = arith.constant 0 : i32
    %c0_i32_0 = arith.constant 0 : i32
    return %arg0, %c0_i32, %arg1 : i32, i32, i32
  }
}

</mosaic_0001>

<sc_bundles>
// kernel: kernel.11.cloned.1.call-start
scs
__scs_entry_jumppad:
0x0: {  	(pc) =	sbr.rel $0x88, $3  }
0x1: {  	(tag) =	ssettag $0x0;
	lr =	simm.s32 $0x1  }
0x2: {  	[smem:$0x3F94] =	sst lr;
	_ =	strace $0xD0000000  }
0x3: {  	_ = 	snop  }
0x4: {  	_ = 	snop  }
0x5: {  	_ = 	snop  }
0x6: {  	_ = 	snop  }
0x7: {  	_ = 	snop  }
__scs_overlays_trampoline_lowered:
0x8: {  	[smem:$0x3FA3] =	sst s0  }
0x9: {  	[smem:$0x3FA4] =	sst s1  }
0xa: {  	[smem:$0x3FA5] =	sst s2  }
0xb: {  	[smem:$0x3FA6] =	sst s3  }
0xc: {  	[smem:$0x3FA7] =	sst s4  }
0xd: {  	[smem:$0x3FA8] =	sst s5  }
0xe: {  	[smem:$0x3FA9] =	sst s6  }
0xf: {  	[smem:$0x3FAA] =	sst s7  }
0x10: {  	[smem:$0x3FAB] =	sst s8  }
0x11: {  	[smem:$0x3FAC] =	sst s9;
	s0 =	simm.s32 @!p0 $0x0  }
0x12: {  	s1 =	sld [smem:$0x3F92];
	s0 =	simm.s32 @p0 $0x1  }
0x13: {  	[smem:$0x3FAD] =	sst s0;
	s0 =	simm.s32 @!p1 $0x0  }
0x14: {  	s2 =	sld [smem:$0x3F91];
	s0 =	simm.s32 @p1 $0x1  }
0x15: {  	[smem:$0x3FAE] =	sst s0;
	s0 =	simm.s32 @!p2 $0x0  }
0x16: {  	s3 =	sld [smem:$0x3FDB];
	s0 =	simm.s32 @p2 $0x1  }
0x17: {  	s4 =	simm.s32 $0x1BF5;
	[smem:$0x3FB0] =	sst s0  }
0x18: {  	s0 =	sld [smem:$0x3F93];
	_ =	swait.ge [sflag:s4], $0x0  }
0x19: {  	s7 =	sld [smem:$0x3F94]  }
0x1a: {  	s8 =	sadd.s32 $0xFFFFE003, lr  }
0x1b: {  	s9 =	sadd.s32 $0xFFFFFEF7, lr;
	s5 =	simm.s32 $0xFFFFFFFF;
	p2 =	slt.u32 s8, $0xFFFFF086  }
0x1c: {  	p1 =	slt.u32 s9, $0xF7A;
	s5 =	simm.s32 @!p2 $0x0  }
0x1d: {  	s5 =	simm.s32 @p1 $0x1;
	p0 =	seq.s32 s7, s2  }
0x1e: {  	s7 =	smul.u32 @!p0 $0xF7A, s2;
	p2 =	seq.s32 @!p0 s5, $0x0  }
0x1f: {  	s9 =	smul.u32 $0xF7A, s1;
	s8 =	simm.s32 @!p0 $0x1BF5;
	p2 =	por !p2, p0  }
0x20: {  	[sflag:s8] =	ssyncset.s32 @!p0 $0xFFFFF086;
	s6 =	sadd.s32 @!p0 s3, s7;
	s7 =	simm.s32 @!p0 $0x108  }
0x21: {  	s3 =	sadd.s32 s3, s9;
	s6 =	sadd.s32 @!p0 $0x88, s6;
	s7 =	simm.s32 @p2 $0x1082  }
0x22: {  	[simem:s7], [sflag:s8] =	dma.local @!p0 [hbm:s6], $0xF7A  }
0x23: {  	s9 =	sor.u32 $0xD0000000, s2;
	s6 =	simm.s32 $0x108;
	_ =	swait.ge @!p0 [sflag:s8], $0x0  }
0x24: {  	s3 =	sadd.s32 $0x88, s3;
	s6 =	simm.s32 @!p1 $0x1082;
	[sflag:s4] =	ssyncset.s32 $0xFFFFF086  }
0x25: {  	[simem:s6], [sflag:s4] =	dma.local [hbm:s3], $0xF7A  }
0x26: {  	[smem:$0x3F94] =	sst s1;
	(tag) =	ssettag s2;
	_ =	strace s9  }
0x27: {  	s1 =	sld [smem:$0x3FA4]  }
0x28: {  	s2 =	sld [smem:$0x3FA5]  }
0x29: {  	s4 =	sld [smem:$0x3FA7]  }
0x2a: {  	p0 =	seq.s32 s5, $0x0;
	s5 =	sld [smem:$0x3FA8]  }
0x2b: {  	s6 =	sld [smem:$0x3FA9]  }
0x2c: {  	s7 =	sld [smem:$0x3FAA]  }
0x2d: {  	s3 =	simm.s32 $0x108;
	s8 =	sld [smem:$0x3FAB]  }
0x2e: {  	s3 =	simm.s32 @!p0 $0x1082;
	s9 =	sld [smem:$0x3FAC]  }
0x2f: {  	lr =	sadd.s32 s0, s3;
	s0 =	sld [smem:$0x3FA3]  }
0x30: {  	s3 =	sld [smem:$0x3FA6]  }
0x31: {  	[smem:$0x3FAF] =	sst s10  }
0x32: {  	s10 =	sld [smem:$0x3FAD];
	_ =	sdelay $0x3  }
0x33: {  	p0 =	seq.s32 s10, $0x1;
	s10 =	sld [smem:$0x3FAF];
	_ =	sdelay $0x3  }
0x34: {  	[smem:$0x3FAF] =	sst s10  }
0x35: {  	s10 =	sld [smem:$0x3FAE];
	_ =	sdelay $0x3  }
0x36: {  	p1 =	seq.s32 s10, $0x1;
	s10 =	sld [smem:$0x3FAF];
	_ =	sdelay $0x3  }
0x37: {  	[smem:$0x3FAF] =	sst s10  }
0x38: {  	s10 =	sld [smem:$0x3FB0]  }
0x39: {  	_ = 	snop;
	(pc) =	sbr.ind lr, $3  }
0x3a: {  	_ = 	snop  }
0x3b: {  	_ = 	snop  }
0x3c: {  	p2 =	seq.s32 s10, $0x1;
	s10 =	sld [smem:$0x3FAF]  }
0x3d: {  	_ =	shalt  }
0x3e: {  	_ =	shalt  }
0x3f: {  	_ =	shalt  }
0x40: {  	_ =	shalt  }
0x41: {  	_ =	shalt  }
0x42: {  	_ =	shalt  }
0x43: {  	_ =	shalt  }
0x44: {  	_ =	shalt  }
0x45: {  	_ =	shalt  }
0x46: {  	_ =	shalt  }
0x47: {  	_ =	shalt  }
0x48: {  	_ =	shalt  }
0x49: {  	_ =	shalt  }
0x4a: {  	_ =	shalt  }
0x4b: {  	_ =	shalt  }
0x4c: {  	_ =	shalt  }
0x4d: {  	_ =	shalt  }
0x4e: {  	_ =	shalt  }
0x4f: {  	_ =	shalt  }
0x50: {  	_ =	shalt  }
0x51: {  	_ =	shalt  }
0x52: {  	_ =	shalt  }
0x53: {  	_ =	shalt  }
0x54: {  	_ =	shalt  }
0x55: {  	_ =	shalt  }
0x56: {  	_ =	shalt  }
0x57: {  	_ =	shalt  }
0x58: {  	_ =	shalt  }
0x59: {  	_ =	shalt  }
0x5a: {  	_ =	shalt  }
0x5b: {  	_ =	shalt  }
0x5c: {  	_ =	shalt  }
0x5d: {  	_ =	shalt  }
0x5e: {  	_ =	shalt  }
0x5f: {  	_ =	shalt  }
0x60: {  	_ =	shalt  }
0x61: {  	_ =	shalt  }
0x62: {  	_ =	shalt  }
0x63: {  	_ =	shalt  }
0x64: {  	_ =	shalt  }
0x65: {  	_ =	shalt  }
0x66: {  	_ =	shalt  }
0x67: {  	_ =	shalt  }
0x68: {  	_ =	shalt  }
0x69: {  	_ =	shalt  }
0x6a: {  	_ =	shalt  }
0x6b: {  	_ =	shalt  }
0x6c: {  	_ =	shalt  }
0x6d: {  	_ =	shalt  }
0x6e: {  	_ =	shalt  }
0x6f: {  	_ =	shalt  }
0x70: {  	_ =	shalt  }
0x71: {  	_ =	shalt  }
0x72: {  	_ =	shalt  }
0x73: {  	_ =	shalt  }
0x74: {  	_ =	shalt  }
0x75: {  	_ =	shalt  }
0x76: {  	_ =	shalt  }
0x77: {  	_ =	shalt  }
0x78: {  	_ =	shalt  }
0x79: {  	_ =	shalt  }
0x7a: {  	_ =	shalt  }
0x7b: {  	_ =	shalt  }
0x7c: {  	_ =	shalt  }
0x7d: {  	_ =	shalt  }
0x7e: {  	_ =	shalt  }
0x7f: {  	_ =	shalt  }
0x80: {  	_ =	shalt  }
0x81: {  	_ =	shalt  }
0x82: {  	_ =	shalt  }
0x83: {  	_ =	shalt  }
0x84: {  	_ =	shalt  }
0x85: {  	_ =	shalt  }
0x86: {  	_ =	shalt  }
0x87: {  	_ =	shalt  }
.Lfunc_end0:
.L_simem_size_0:
called_computation.1_lowered:
.L_overlay_start_0:
0x88: {  	s2 =	sld [smem:$0x3FD9]  }
0x89: {  	s3 =	sld [smem:$0x3FFE];
	_ =	sdelay $0x1  }
0x8a: {  	s1 =	srdreg.scid  }
0x8b: {  	s0 =	sand.u32 $0x1, s1  }
0x8c: {  	s17 =	sshll.u32 s0, $0xA;
	s2 =	sadd.s32 s3, s2  }
0x8d: {  	s2 =	sadd.s32 s2, s17  }
0x8e: {  	[smem:$0x3FBB] =	sst s2  }
0x8f: {  	_ = 	snop  }
0x90: {  	(tm) =	ssettm $0x1  }
0x91: {  	s18 =	sld [smem:$0x3FFB];
	_ =	sdelay $0x3  }
0x92: {  	_ =	strace s18  }
0x93: {  	s2 =	sld [smem:$0x3FFC];
	_ =	sdelay $0x3  }
0x94: {  	_ =	strace s2  }
0x95: {  	s2 =	sld [smem:$0x3FFD];
	_ =	sdelay $0x3  }
0x96: {  	_ =	strace s2  }
0x97: {  	_ =	strace $0x8FFFFFFF  }
0x98: {  	s19 =	sld [smem:$0x3FDB];
	_ =	sdelay $0x1  }
0x99: {  	s20 =	simm.s32 $_scs_section_size  }
0x9a: {  	s4 =	simm.s32 $_size__tile_overlayer_lowered;
	s5 =	simm.s32 $_tile_overlayer_lowered  }
0x9b: {  	s6 =	simm.s32 $0x1BFF;
	s21 =	sshll.u32 s5, $0x1;
	s3 =	sadd.s32 s20, s19  }
0x9c: {  	s22 =	simm.s32 $0x0;
	s4 =	sshll.u32 s4, $0x1;
	s5 =	sadd.s32 s21, s3  }
0x9d: {  	[timem:s22], [sflag:s6] =	dma.local [hbm:s5], s4  }
0x9e: {  	_ =	swait.ge [sflag:s6], s4  }
0x9f: {  	s4 =	ssub.s32 $0x0, s4;
	[sflag:s6] =	ssyncset.done $0x0  }
0xa0: {  	[sflag:s6] =	ssyncadd.s32 s4;
	_ =	sdelay $0x1  }
0xa1: {  	s23 =	simm.s32 $0x1B8B  }
0xa2: {  	_ =	swait.ge [sflag:s23], $0x1  }
0xa3: {  	[sflag:s23] =	ssyncset.done $0x0  }
0xa4: {  	[sflag:s23] =	ssyncadd.s32 $0xFFFFFFFF  }
0xa5: {  	s4 =	sld [smem:$0x0]  }
0xa6: {  	s5 =	sand.u32 $0xFFFFFFFE, s1  }
0xa7: {  	p0 =	sne.s32 s1, s5  }
0xa8: {  	s5 =	sshll.u32 @p0 s5, $0xE  }
0xa9: {  	s5 =	sadd.s32 @p0 $0x11B8D, s5;
	s6 =	sshll.u32 @p0 s4, $0x11  }
0xaa: {  	s5 =	sor.u32 @p0 s6, s5  }
0xab: {  	[sflag:s5] =	ssyncadd.remote.s32 @p0 $0x1;
	_ =	sdelay $0x1  }
0xac: {  	s5 =	simm.s32 @p0 $0x1B8D  }
0xad: {  	_ =	swait.eq @p0 [sflag:s5], $0x1  }
0xae: {  	[sflag:s5] =	ssyncadd.s32 @p0 $0xFFFFFFFF  }
0xaf: {  	s6 =	sshll.u32 @!p0 s1, $0xE  }
0xb0: {  	s6 =	sor.u32 @!p0 $0x4000, s6;
	s5 =	simm.s32 @!p0 $0x1B8D  }
0xb1: {  	s4 =	sshll.u32 @!p0 s4, $0x11;
	s6 =	sadd.s32 @!p0 $0x11B8D, s6;
	_ =	swait.eq @!p0 [sflag:s5], $0x1  }
0xb2: {  	s4 =	sor.u32 @!p0 s4, s6;
	[sflag:s5] =	ssyncadd.s32 @!p0 $0xFFFFFFFF  }
0xb3: {  	s25 =	simm.s32 $0x1B8E;
	s24 =	sld [smem:$0x3FFE];
	[sflag:s4] =	ssyncadd.remote.s32 @!p0 $0x1  }
0xb4: {  	s26 =	simm.s32 $execute0_lowered;
	[smem:$0x3FD2] =	sst s25  }
0xb5: {  	s5 =	sshll.u32 s26, $0x1;
	_ =	strace $0x80000049;
	[dreg:$0x1] =	wrdreg $0xFFFFFFFF  }
0xb6: {  	s28 =	simm.s32 $_size_execute0_lowered;
	s3 =	sadd.s32 s3, s5;
	[dreg:$0x0] =	wrdreg $0x0  }
0xb7: {  	s5 =	sshll.u32 s28, $0x1;
	[dreg:$0x2] =	wrdreg s3  }
0xb8: {  	[dreg:$0x3] =	wrdreg s5  }
0xb9: {  	[dreg:$0x4] =	wrdreg $0xC0  }
0xba: {  	_ =	task [dreg:s22], $0x5FFFF  }
0xbb: {  	[dreg:$0x1] =	wrdreg $0xFFFFFFFF  }
0xbc: {  	[dreg:$0x0] =	wrdreg $0x60  }
0xbd: {  	[dreg:$0x2] =	wrdreg s24  }
0xbe: {  	[dreg:$0x3] =	wrdreg $0xA  }
0xbf: {  	_ =	task.clear_ibuf [dreg:s22], $0x4FFFF;
	_ =	strace $0x90000049  }
0xc0: {  	s29 =	simm.s32 $0xA;
	_ =	strace $0x8000004B  }
0xc1: {  	_ =	swait.ge [sflag:s29], $0x1  }
0xc2: {  	[sflag:s29] =	ssyncadd.s32 $0xFFFFFFFF  }
0xc3: {  	_ =	strace $0x9000004B  }
0xc4: {  	_ =	sfence  }
0xc5: {  	s30 =	sld [smem:$0x0];
	_ =	sdelay $0x2  }
0xc6: {  	s31 =	sshll.u32 s1, $0xD;
	s1 =	sshrl.u32 s1, $0x2  }
0xc7: {  	s4 =	sand.u32 $0x4000, s31;
	s1 =	sadd.s32 s1, s30  }
0xc8: {  	s0 =	sor.u32 s4, s0;
	s1 =	sshll.u32 s1, $0x11  }
0xc9: {  	s0 =	sor.u32 s1, s0  }
0xca: {  	s0 =	sadd.s32 $0x8F2B, s0  }
0xcb: {  	[sflag:s0] =	ssyncadd.remote.s32 $0x1  }
0xcc: {  	_ =	sfence.sel $0xFFFF  }
0xcd: {  	[dreg:$0x0] =	wrdreg $0xFFFFFFFF;
	(pc) =	sbr.abs _section_cstart, $3  }
0xce: {  	[dreg:$0x1] =	wrdreg $0xFFFFFFFF  }
0xcf: {  	_ =	task.clear_ibuf [dreg:s22], $0x2FFFF;
	_ =	strace $0x9FFFFFFF  }
0xd0: {  	(tm) =	ssettm $0x7FFFFFFF  }
0xd1: {  	_ =	shalt  }
tec
execute0_lowered:
.L_overlay_start_1:
0x0: {  	(tag) =	ssettag $0x1  }
0x1: {  	s1 =	srdreg.scid;
	s0 =	stileid.u32  }
0x2: {  	s18 =	sand.u32 $0x1, s1;
	s30 =	sshll.u32 s0, $0x1  }
0x3: {  	s12 =	sor.u32 s18, s30  }
0x4: {  	s3 =	smul.u32 $0xA0, s12  }
0x5: {  	s10 =	rddreg [dreg:$0x0];
	s2 =	simm.s32 $0x0  }
0x6: {  	s4 =	simm.s32 $0x5;
	[smem:$0x7FF] =	sst s2;
	s3 =	sadd.s32 s3, s10  }
0x7: {  	s1 =	rddreg [dreg:$0x1];
	_ =	strace $0x8000004A;
	s3 =	sadd.s32 $0xE4400, s3  }
0x8: {  	[tilespmem:s2], [sflag:$0x5] =	stream.linear.gather [hbm4b:s3+s2], $0x500, $0x38;
	[tilespmem:$0x14500] =	vst v63  }
0x9: {  	_ =	swait.ge [sflag:s4], $0x500  }
0xa: {  	s6 =	simm.s32 $0x140;
	[sflag:s4] =	ssyncset.done $0x0  }
0xb: {  	s7 =	simm.s32 $0x500;
	s5 =	sadd.s32 $0xC4400, s10;
	[sflag:s4] =	ssyncadd.s32 $0xFFFFFB00  }
0xc: {  	[tilespmem:s7], [sflag:$0x1] =	stream.indirect.gather [hbm4b:s5+s6], $0x80, s2, s6, $0xb8;
	[tilespmem:$0x14500] =	vst v63  }
0xd: {  	s8 =	simm.s32 $0xA500;
	s9 =	simm.s32 $0x1  }
0xe: {  	[tilespmem:s8], [sflag:$0x2] =	stream.indirect.gather [hbm4b:s5+s6], $0x80, s6, s6, $0xb8;
	[tilespmem:$0x14500] =	vst v63  }
0xf: {  	s11 =	smul.u32 $0x5000, s12;
	_ =	swait.ge [sflag:s9], $0xA000  }
0x10: {  	s14 =	sadd.s32 $0xE5800, s10;
	[sflag:s9] =	ssyncset.done $0x0  }
0x11: {  	s10 =	sadd.s32 s14, s11;
	s11 =	simm.s32 $0x3;
	[sflag:s9] =	ssyncadd.s32 $0xFFFF6000  }
0x12: {  	[hbm4b:s10+s2] =	stream.linear.scatter [tilespmem:s7], [sflag:$0x3], $0xA000, $0x38;
	[tilespmem:$0x14500] =	vst v63  }
0x13: {  	_ =	swait.ge [sflag:s11], $0xA000  }
0x14: {  	s13 =	simm.s32 $0x2;
	[sflag:s11] =	ssyncset.done $0x0  }
0x15: {  	s15 =	smul.u32 $0x28000, s12;
	s12 =	simm.s32 $0x280;
	[sflag:s11] =	ssyncadd.s32 $0xFFFF6000  }
0x16: {  	[tilespmem:s7], [sflag:$0x1] =	stream.indirect.gather [hbm4b:s5+s6], $0x80, s12, s6, $0xb8;
	[tilespmem:$0x14500] =	vst v63  }
0x17: {  	s15 =	sshrl.u32 s15, $0x3;
	_ =	swait.ge [sflag:s13], $0xA000  }
0x18: {  	s19 =	sadd.s32 s14, s15;
	[sflag:s13] =	ssyncset.done $0x0  }
0x19: {  	s14 =	simm.s32 $0x4;
	s15 =	sadd.s32 $0x1400, s19;
	[sflag:s13] =	ssyncadd.s32 $0xFFFF6000  }
0x1a: {  	[hbm4b:s15+s2] =	stream.linear.scatter [tilespmem:s8], [sflag:$0x4], $0xA000, $0x38;
	[tilespmem:$0x14500] =	vst v63  }
0x1b: {  	_ =	swait.ge [sflag:s14], $0xA000  }
0x1c: {  	[sflag:s14] =	ssyncset.done $0x0  }
0x1d: {  	s16 =	simm.s32 $0x3C0;
	[sflag:s14] =	ssyncadd.s32 $0xFFFF6000  }
0x1e: {  	[tilespmem:s8], [sflag:$0x2] =	stream.indirect.gather [hbm4b:s5+s6], $0x80, s16, s6, $0xb8;
	[tilespmem:$0x14500] =	vst v63  }
0x1f: {  	_ =	swait.ge [sflag:s9], $0xA000  }
0x20: {  	s20 =	ssub.s32 $0x2, s18;
	[sflag:s9] =	ssyncset.done $0x0  }
0x21: {  	s31 =	sshrl.u32 s20, $0x1;
	s17 =	sadd.s32 $0x2800, s19;
	[sflag:s9] =	ssyncadd.s32 $0xFFFF6000  }
0x22: {  	[hbm4b:s17+s2] =	stream.linear.scatter [tilespmem:s7], [sflag:$0x3], $0xA000, $0x38;
	[tilespmem:$0x14500] =	vst v63  }
0x23: {  	s18 =	sadd.s32 $0x3C00, s19;
	s19 =	ssub.s32 s20, s31;
	_ =	swait.ge [sflag:s13], $0xA000  }
0x24: {  	s19 =	smax.u32 s19, $0x1;
	[sflag:s13] =	ssyncset.done $0x0  }
0x25: {  	p0 =	sne.s32 s19, $0x1;
	[sflag:s13] =	ssyncadd.s32 $0xFFFF6000  }
0x26: {  	[hbm4b:s18+s2] =	stream.linear.scatter [tilespmem:s8], [sflag:$0x4], $0xA000, $0x38;
	[tilespmem:$0x14500] =	vst v63  }
.Ltmp0:
0x27: {  	_ =	swait.ge [sflag:s11], $0xA000;
	(pc) =	sbr.rel @!p0 .LBB2_2-.Ltmp0, $4  }
0x28: {  	[sflag:s11] =	ssyncset.done $0x0  }
0x29: {  	[sflag:s11] =	ssyncadd.s32 $0xFFFF6000  }
0x2a: {  	_ =	swait.ge [sflag:s14], $0xA000  }
0x2b: {  	s19 =	sadd.s32 $0xFFFFFFFF, s19;
	[sflag:s14] =	ssyncset.done $0x0  }
.LBB2_1:
0x2c: {  	p0 =	sne.s32 s19, $0x1;
	s19 =	sadd.s32 $0xFFFFFFFF, s19;
	[sflag:s14] =	ssyncadd.s32 $0xFFFF6000  }
0x2d: {  	[tilespmem:s2], [sflag:$0x5] =	stream.linear.gather [hbm4b:s3+s2], $0x500, $0x38;
	[tilespmem:$0x14500] =	vst v63  }
0x2e: {  	_ =	swait.ge [sflag:s4], $0x500  }
0x2f: {  	[sflag:s4] =	ssyncset.done $0x0  }
0x30: {  	[sflag:s4] =	ssyncadd.s32 $0xFFFFFB00  }
0x31: {  	[tilespmem:s7], [sflag:$0x1] =	stream.indirect.gather [hbm4b:s5+s6], $0x80, s2, s6, $0xb8;
	[tilespmem:$0x14500] =	vst v63  }
0x32: {  	_ = 	snop  }
0x33: {  	[tilespmem:s8], [sflag:$0x2] =	stream.indirect.gather [hbm4b:s5+s6], $0x80, s6, s6, $0xb8;
	[tilespmem:$0x14500] =	vst v63  }
0x34: {  	_ =	swait.ge [sflag:s9], $0xA000  }
0x35: {  	[sflag:s9] =	ssyncset.done $0x0  }
0x36: {  	[sflag:s9] =	ssyncadd.s32 $0xFFFF6000  }
0x37: {  	[hbm4b:s10+s2] =	stream.linear.scatter [tilespmem:s7], [sflag:$0x3], $0xA000, $0x38;
	[tilespmem:$0x14500] =	vst v63  }
0x38: {  	_ =	swait.ge [sflag:s11], $0xA000  }
0x39: {  	[sflag:s11] =	ssyncset.done $0x0  }
0x3a: {  	[sflag:s11] =	ssyncadd.s32 $0xFFFF6000  }
0x3b: {  	[tilespmem:s7], [sflag:$0x1] =	stream.indirect.gather [hbm4b:s5+s6], $0x80, s12, s6, $0xb8;
	[tilespmem:$0x14500] =	vst v63  }
0x3c: {  	_ =	swait.ge [sflag:s13], $0xA000  }
0x3d: {  	[sflag:s13] =	ssyncset.done $0x0  }
0x3e: {  	[sflag:s13] =	ssyncadd.s32 $0xFFFF6000  }
0x3f: {  	[hbm4b:s15+s2] =	stream.linear.scatter [tilespmem:s8], [sflag:$0x4], $0xA000, $0x38;
	[tilespmem:$0x14500] =	vst v63  }
0x40: {  	_ =	swait.ge [sflag:s14], $0xA000  }
0x41: {  	[sflag:s14] =	ssyncset.done $0x0  }
0x42: {  	[sflag:s14] =	ssyncadd.s32 $0xFFFF6000  }
0x43: {  	[tilespmem:s8], [sflag:$0x2] =	stream.indirect.gather [hbm4b:s5+s6], $0x80, s16, s6, $0xb8;
	[tilespmem:$0x14500] =	vst v63  }
0x44: {  	_ =	swait.ge [sflag:s9], $0xA000  }
0x45: {  	[sflag:s9] =	ssyncset.done $0x0  }
0x46: {  	[sflag:s9] =	ssyncadd.s32 $0xFFFF6000  }
0x47: {  	[hbm4b:s17+s2] =	stream.linear.scatter [tilespmem:s7], [sflag:$0x3], $0xA000, $0x38;
	[tilespmem:$0x14500] =	vst v63  }
0x48: {  	_ =	swait.ge [sflag:s13], $0xA000  }
0x49: {  	[sflag:s13] =	ssyncset.done $0x0  }
0x4a: {  	[sflag:s13] =	ssyncadd.s32 $0xFFFF6000  }
0x4b: {  	[hbm4b:s18+s2] =	stream.linear.scatter [tilespmem:s8], [sflag:$0x4], $0xA000, $0x38;
	[tilespmem:$0x14500] =	vst v63  }
.Ltmp1:
0x4c: {  	_ =	swait.ge [sflag:s11], $0xA000;
	(pc) =	sbr.rel @p0 .LBB2_1-.Ltmp1, $4  }
0x4d: {  	[sflag:s11] =	ssyncset.done $0x0  }
0x4e: {  	[sflag:s11] =	ssyncadd.s32 $0xFFFF6000  }
0x4f: {  	_ =	swait.ge [sflag:s14], $0xA000  }
0x50: {  	[sflag:s14] =	ssyncset.done $0x0  }
.LBB2_2:
0x51: {  	[sflag:s14] =	ssyncadd.s32 $0xFFFF6000  }
0x52: {  	_ =	sfence.sel $0x180000  }
0x53: {  	[bflag:$0x0] =	sbarrier.arrive $0xFFFF  }
0x54: {  	p0 =	sne.s32 s0, $0x0;
	_ =	strace $0x9000004A  }
0x55: {  	s0 =	sadd.s32 @!p0 $0x100000, s1;
	[bflag:$0x2] =	sbarrier.arrive $0xFFFF  }
0x56: {  	[sflag:s0] =	ssyncadd.tile.s32 @!p0 $0x1;
	_ =	shalt  }
.Lfunc_end2:
_tile_overlayer_lowered:
.L_overlay_start_2:
0x57: {  	(tag) =	ssettag $0x2  }
0x58: {  	s0 =	rddreg [dreg:$0x0];
	s2 =	stileid.u32  }
0x59: {  	s1 =	rddreg [dreg:$0x1];
	p0 =	sne.s32 s2, $0x0  }
0x5a: {  	s3 =	rddreg [dreg:$0x2];
	[bflag:$0x3] =	sbarrier.arrive $0xFFFF;
	s2 =	simm.s32 @!p0 $0x1C05  }
0x5b: {  	[timem:s3], [sflag:s2] =	dma.local @!p0 [hbm:s0], s1  }
0x5c: {  	s0 =	simm.s32 @!p0 $0x5  }
0x5d: {  	_ =	swait.ge @!p0 [sflag:s0], s1  }
0x5e: {  	s1 =	ssub.s32 @!p0 $0x0, s1;
	[sflag:s0] =	ssyncset.done @!p0 $0x0  }
0x5f: {  	[sflag:s0] =	ssyncadd.s32 @!p0 s1  }
0x60: {  	[bflag:$0x3] =	sbarrier.arrive $0xFFFF  }
0x61: {  	_ =	shalt  }

// kernel: kernel.8.cloned.1.call-start
scs
__scs_entry_jumppad:
0x0: {  	(pc) =	sbr.rel $0x88, $3  }
0x1: {  	(tag) =	ssettag $0x0;
	lr =	simm.s32 $0x1  }
0x2: {  	[smem:$0x3F94] =	sst lr;
	_ =	strace $0xD0000000  }
0x3: {  	_ = 	snop  }
0x4: {  	_ = 	snop  }
0x5: {  	_ = 	snop  }
0x6: {  	_ = 	snop  }
0x7: {  	_ = 	snop  }
__scs_overlays_trampoline_lowered:
0x8: {  	[smem:$0x3FA3] =	sst s0  }
0x9: {  	[smem:$0x3FA4] =	sst s1  }
0xa: {  	[smem:$0x3FA5] =	sst s2  }
0xb: {  	[smem:$0x3FA6] =	sst s3  }
0xc: {  	[smem:$0x3FA7] =	sst s4  }
0xd: {  	[smem:$0x3FA8] =	sst s5  }
0xe: {  	[smem:$0x3FA9] =	sst s6  }
0xf: {  	[smem:$0x3FAA] =	sst s7  }
0x10: {  	[smem:$0x3FAB] =	sst s8  }
0x11: {  	[smem:$0x3FAC] =	sst s9;
	s0 =	simm.s32 @!p0 $0x0  }
0x12: {  	s1 =	sld [smem:$0x3F92];
	s0 =	simm.s32 @p0 $0x1  }
0x13: {  	[smem:$0x3FAD] =	sst s0;
	s0 =	simm.s32 @!p1 $0x0  }
0x14: {  	s2 =	sld [smem:$0x3F91];
	s0 =	simm.s32 @p1 $0x1  }
0x15: {  	[smem:$0x3FAE] =	sst s0;
	s0 =	simm.s32 @!p2 $0x0  }
0x16: {  	s3 =	sld [smem:$0x3FDB];
	s0 =	simm.s32 @p2 $0x1  }
0x17: {  	s4 =	simm.s32 $0x1BF5;
	[smem:$0x3FB0] =	sst s0  }
0x18: {  	s0 =	sld [smem:$0x3F93];
	_ =	swait.ge [sflag:s4], $0x0  }
0x19: {  	s7 =	sld [smem:$0x3F94]  }
0x1a: {  	s8 =	sadd.s32 $0xFFFFE003, lr  }
0x1b: {  	s9 =	sadd.s32 $0xFFFFFEF7, lr;
	s5 =	simm.s32 $0xFFFFFFFF;
	p2 =	slt.u32 s8, $0xFFFFF086  }
0x1c: {  	p1 =	slt.u32 s9, $0xF7A;
	s5 =	simm.s32 @!p2 $0x0  }
0x1d: {  	s5 =	simm.s32 @p1 $0x1;
	p0 =	seq.s32 s7, s2  }
0x1e: {  	s7 =	smul.u32 @!p0 $0xF7A, s2;
	p2 =	seq.s32 @!p0 s5, $0x0  }
0x1f: {  	s9 =	smul.u32 $0xF7A, s1;
	s8 =	simm.s32 @!p0 $0x1BF5;
	p2 =	por !p2, p0  }
0x20: {  	[sflag:s8] =	ssyncset.s32 @!p0 $0xFFFFF086;
	s6 =	sadd.s32 @!p0 s3, s7;
	s7 =	simm.s32 @!p0 $0x108  }
0x21: {  	s3 =	sadd.s32 s3, s9;
	s6 =	sadd.s32 @!p0 $0x88, s6;
	s7 =	simm.s32 @p2 $0x1082  }
0x22: {  	[simem:s7], [sflag:s8] =	dma.local @!p0 [hbm:s6], $0xF7A  }
0x23: {  	s9 =	sor.u32 $0xD0000000, s2;
	s6 =	simm.s32 $0x108;
	_ =	swait.ge @!p0 [sflag:s8], $0x0  }
0x24: {  	s3 =	sadd.s32 $0x88, s3;
	s6 =	simm.s32 @!p1 $0x1082;
	[sflag:s4] =	ssyncset.s32 $0xFFFFF086  }
0x25: {  	[simem:s6], [sflag:s4] =	dma.local [hbm:s3], $0xF7A  }
0x26: {  	[smem:$0x3F94] =	sst s1;
	(tag) =	ssettag s2;
	_ =	strace s9  }
0x27: {  	s1 =	sld [smem:$0x3FA4]  }
0x28: {  	s2 =	sld [smem:$0x3FA5]  }
0x29: {  	s4 =	sld [smem:$0x3FA7]  }
0x2a: {  	p0 =	seq.s32 s5, $0x0;
	s5 =	sld [smem:$0x3FA8]  }
0x2b: {  	s6 =	sld [smem:$0x3FA9]  }
0x2c: {  	s7 =	sld [smem:$0x3FAA]  }
0x2d: {  	s3 =	simm.s32 $0x108;
	s8 =	sld [smem:$0x3FAB]  }
0x2e: {  	s3 =	simm.s32 @!p0 $0x1082;
	s9 =	sld [smem:$0x3FAC]  }
0x2f: {  	lr =	sadd.s32 s0, s3;
	s0 =	sld [smem:$0x3FA3]  }
0x30: {  	s3 =	sld [smem:$0x3FA6]  }
0x31: {  	[smem:$0x3FAF] =	sst s10  }
0x32: {  	s10 =	sld [smem:$0x3FAD];
	_ =	sdelay $0x3  }
0x33: {  	p0 =	seq.s32 s10, $0x1;
	s10 =	sld [smem:$0x3FAF];
	_ =	sdelay $0x3  }
0x34: {  	[smem:$0x3FAF] =	sst s10  }
0x35: {  	s10 =	sld [smem:$0x3FAE];
	_ =	sdelay $0x3  }
0x36: {  	p1 =	seq.s32 s10, $0x1;
	s10 =	sld [smem:$0x3FAF];
	_ =	sdelay $0x3  }
0x37: {  	[smem:$0x3FAF] =	sst s10  }
0x38: {  	s10 =	sld [smem:$0x3FB0]  }
0x39: {  	_ = 	snop;
	(pc) =	sbr.ind lr, $3  }
0x3a: {  	_ = 	snop  }
0x3b: {  	_ = 	snop  }
0x3c: {  	p2 =	seq.s32 s10, $0x1;
	s10 =	sld [smem:$0x3FAF]  }
0x3d: {  	_ =	shalt  }
0x3e: {  	_ =	shalt  }
0x3f: {  	_ =	shalt  }
0x40: {  	_ =	shalt  }
0x41: {  	_ =	shalt  }
0x42: {  	_ =	shalt  }
0x43: {  	_ =	shalt  }
0x44: {  	_ =	shalt  }
0x45: {  	_ =	shalt  }
0x46: {  	_ =	shalt  }
0x47: {  	_ =	shalt  }
0x48: {  	_ =	shalt  }
0x49: {  	_ =	shalt  }
0x4a: {  	_ =	shalt  }
0x4b: {  	_ =	shalt  }
0x4c: {  	_ =	shalt  }
0x4d: {  	_ =	shalt  }
0x4e: {  	_ =	shalt  }
0x4f: {  	_ =	shalt  }
0x50: {  	_ =	shalt  }
0x51: {  	_ =	shalt  }
0x52: {  	_ =	shalt  }
0x53: {  	_ =	shalt  }
0x54: {  	_ =	shalt  }
0x55: {  	_ =	shalt  }
0x56: {  	_ =	shalt  }
0x57: {  	_ =	shalt  }
0x58: {  	_ =	shalt  }
0x59: {  	_ =	shalt  }
0x5a: {  	_ =	shalt  }
0x5b: {  	_ =	shalt  }
0x5c: {  	_ =	shalt  }
0x5d: {  	_ =	shalt  }
0x5e: {  	_ =	shalt  }
0x5f: {  	_ =	shalt  }
0x60: {  	_ =	shalt  }
0x61: {  	_ =	shalt  }
0x62: {  	_ =	shalt  }
0x63: {  	_ =	shalt  }
0x64: {  	_ =	shalt  }
0x65: {  	_ =	shalt  }
0x66: {  	_ =	shalt  }
0x67: {  	_ =	shalt  }
0x68: {  	_ =	shalt  }
0x69: {  	_ =	shalt  }
0x6a: {  	_ =	shalt  }
0x6b: {  	_ =	shalt  }
0x6c: {  	_ =	shalt  }
0x6d: {  	_ =	shalt  }
0x6e: {  	_ =	shalt  }
0x6f: {  	_ =	shalt  }
0x70: {  	_ =	shalt  }
0x71: {  	_ =	shalt  }
0x72: {  	_ =	shalt  }
0x73: {  	_ =	shalt  }
0x74: {  	_ =	shalt  }
0x75: {  	_ =	shalt  }
0x76: {  	_ =	shalt  }
0x77: {  	_ =	shalt  }
0x78: {  	_ =	shalt  }
0x79: {  	_ =	shalt  }
0x7a: {  	_ =	shalt  }
0x7b: {  	_ =	shalt  }
0x7c: {  	_ =	shalt  }
0x7d: {  	_ =	shalt  }
0x7e: {  	_ =	shalt  }
0x7f: {  	_ =	shalt  }
0x80: {  	_ =	shalt  }
0x81: {  	_ =	shalt  }
0x82: {  	_ =	shalt  }
0x83: {  	_ =	shalt  }
0x84: {  	_ =	shalt  }
0x85: {  	_ =	shalt  }
0x86: {  	_ =	shalt  }
0x87: {  	_ =	shalt  }
.Lfunc_end0:
.L_simem_size_0:
called_computation_lowered:
.L_overlay_start_0:
0x88: {  	s2 =	sld [smem:$0x3FD9]  }
0x89: {  	s3 =	sld [smem:$0x3FFE];
	_ =	sdelay $0x1  }
0x8a: {  	s1 =	srdreg.scid  }
0x8b: {  	s0 =	sand.u32 $0x1, s1  }
0x8c: {  	s16 =	sshll.u32 s0, $0xA;
	s2 =	sadd.s32 s3, s2  }
0x8d: {  	s2 =	sadd.s32 s2, s16  }
0x8e: {  	[smem:$0x3FBB] =	sst s2  }
0x8f: {  	_ = 	snop  }
0x90: {  	(tm) =	ssettm $0x1  }
0x91: {  	s17 =	sld [smem:$0x3FFB];
	_ =	sdelay $0x3  }
0x92: {  	_ =	strace s17  }
0x93: {  	s2 =	sld [smem:$0x3FFC];
	_ =	sdelay $0x3  }
0x94: {  	_ =	strace s2  }
0x95: {  	s2 =	sld [smem:$0x3FFD];
	_ =	sdelay $0x3  }
0x96: {  	_ =	strace s2  }
0x97: {  	_ =	strace $0x8FFFFFFF  }
0x98: {  	s18 =	sld [smem:$0x3FDB];
	_ =	sdelay $0x1  }
0x99: {  	s19 =	simm.s32 $_scs_section_size  }
0x9a: {  	s4 =	simm.s32 $_size__tile_overlayer_lowered;
	s5 =	simm.s32 $_tile_overlayer_lowered  }
0x9b: {  	s22 =	simm.s32 $0x1BFF;
	s21 =	sshll.u32 s5, $0x1;
	s2 =	sadd.s32 s19, s18  }
0x9c: {  	s6 =	simm.s32 $0x0;
	s20 =	sshll.u32 s4, $0x1;
	s4 =	sadd.s32 s21, s2  }
0x9d: {  	[timem:s6], [sflag:s22] =	dma.local [hbm:s4], s20  }
0x9e: {  	_ =	swait.ge [sflag:s22], s20  }
0x9f: {  	s3 =	ssub.s32 $0x0, s20;
	[sflag:s22] =	ssyncset.done $0x0  }
0xa0: {  	[sflag:s22] =	ssyncadd.s32 s3;
	_ =	sdelay $0x1  }
0xa1: {  	s23 =	simm.s32 $0x1B8B  }
0xa2: {  	_ =	swait.ge [sflag:s23], $0x1  }
0xa3: {  	[sflag:s23] =	ssyncset.done $0x0  }
0xa4: {  	s25 =	simm.s32 $0x1B8E;
	s24 =	sld [smem:$0x3FFE];
	[sflag:s23] =	ssyncadd.s32 $0xFFFFFFFF  }
0xa5: {  	s26 =	simm.s32 $execute0_lowered;
	[smem:$0x3FD2] =	sst s25  }
0xa6: {  	s4 =	sshll.u32 s26, $0x1;
	_ =	strace $0x80000046;
	[dreg:$0x1] =	wrdreg $0xFFFFFFFF  }
0xa7: {  	s28 =	simm.s32 $_size_execute0_lowered;
	s2 =	sadd.s32 s2, s4;
	[dreg:$0x0] =	wrdreg $0x0  }
0xa8: {  	s4 =	sshll.u32 s28, $0x1;
	[dreg:$0x2] =	wrdreg s2  }
0xa9: {  	[dreg:$0x3] =	wrdreg s4  }
0xaa: {  	[dreg:$0x4] =	wrdreg $0xC0  }
0xab: {  	_ =	task [dreg:s6], $0x5FFFF  }
0xac: {  	[dreg:$0x1] =	wrdreg $0xFFFFFFFF  }
0xad: {  	[dreg:$0x0] =	wrdreg $0x60  }
0xae: {  	[dreg:$0x2] =	wrdreg s24  }
0xaf: {  	[dreg:$0x3] =	wrdreg $0x9  }
0xb0: {  	_ =	task.clear_ibuf [dreg:s6], $0x4FFFF;
	_ =	strace $0x90000046  }
0xb1: {  	s29 =	simm.s32 $0x9;
	_ =	strace $0x80000048  }
0xb2: {  	_ =	swait.ge [sflag:s29], $0x1  }
0xb3: {  	[sflag:s29] =	ssyncadd.s32 $0xFFFFFFFF  }
0xb4: {  	_ =	strace $0x90000048  }
0xb5: {  	_ =	sfence  }
0xb6: {  	s30 =	sld [smem:$0x0];
	_ =	sdelay $0x2  }
0xb7: {  	s31 =	sshll.u32 s1, $0xD;
	s1 =	sshrl.u32 s1, $0x2  }
0xb8: {  	s3 =	sand.u32 $0x4000, s31;
	s1 =	sadd.s32 s1, s30  }
0xb9: {  	s0 =	sor.u32 s3, s0;
	s1 =	sshll.u32 s1, $0x11  }
0xba: {  	s0 =	sor.u32 s1, s0  }
0xbb: {  	s0 =	sadd.s32 $0x8F2B, s0  }
0xbc: {  	[sflag:s0] =	ssyncadd.remote.s32 $0x1  }
0xbd: {  	_ =	sfence.sel $0xFFFF  }
0xbe: {  	[dreg:$0x0] =	wrdreg $0xFFFFFFFF;
	(pc) =	sbr.abs _section_cstart, $3  }
0xbf: {  	[dreg:$0x1] =	wrdreg $0xFFFFFFFF  }
0xc0: {  	_ =	task.clear_ibuf [dreg:s6], $0x2FFFF;
	_ =	strace $0x9FFFFFFF  }
0xc1: {  	(tm) =	ssettm $0x7FFFFFFF  }
tec
execute0_lowered:
.L_overlay_start_1:
0x0: {  	(tag) =	ssettag $0x1  }
0x1: {  	s1 =	srdreg.scid;
	s0 =	stileid.u32  }
0x2: {  	s18 =	sand.u32 $0x1, s1;
	s30 =	sshll.u32 s0, $0x1  }
0x3: {  	s12 =	sor.u32 s18, s30  }
0x4: {  	s3 =	smul.u32 $0xA0, s12  }
0x5: {  	s10 =	rddreg [dreg:$0x0];
	s2 =	simm.s32 $0x0  }
0x6: {  	s4 =	simm.s32 $0x5;
	[smem:$0x7FF] =	sst s2;
	s3 =	sadd.s32 s3, s10  }
0x7: {  	s1 =	rddreg [dreg:$0x1];
	_ =	strace $0x80000047;
	s3 =	sadd.s32 $0x23000, s3  }
0x8: {  	[tilespmem:s2], [sflag:$0x5] =	stream.linear.gather [hbm4b:s3+s2], $0x500, $0x38;
	[tilespmem:$0x14500] =	vst v63  }
0x9: {  	_ =	swait.ge [sflag:s4], $0x500  }
0xa: {  	s6 =	simm.s32 $0x140;
	[sflag:s4] =	ssyncset.done $0x0  }
0xb: {  	s7 =	simm.s32 $0x500;
	s5 =	sadd.s32 $0x3000, s10;
	[sflag:s4] =	ssyncadd.s32 $0xFFFFFB00  }
0xc: {  	[tilespmem:s7], [sflag:$0x1] =	stream.indirect.gather [hbm4b:s5+s6], $0x80, s2, s6, $0xb8;
	[tilespmem:$0x14500] =	vst v63  }
0xd: {  	s8 =	simm.s32 $0xA500;
	s9 =	simm.s32 $0x1  }
0xe: {  	[tilespmem:s8], [sflag:$0x2] =	stream.indirect.gather [hbm4b:s5+s6], $0x80, s6, s6, $0xb8;
	[tilespmem:$0x14500] =	vst v63  }
0xf: {  	s11 =	smul.u32 $0x5000, s12;
	_ =	swait.ge [sflag:s9], $0xA000  }
0x10: {  	s14 =	sadd.s32 $0x24400, s10;
	[sflag:s9] =	ssyncset.done $0x0  }
0x11: {  	s10 =	sadd.s32 s14, s11;
	s11 =	simm.s32 $0x3;
	[sflag:s9] =	ssyncadd.s32 $0xFFFF6000  }
0x12: {  	[hbm4b:s10+s2] =	stream.linear.scatter [tilespmem:s7], [sflag:$0x3], $0xA000, $0x38;
	[tilespmem:$0x14500] =	vst v63  }
0x13: {  	_ =	swait.ge [sflag:s11], $0xA000  }
0x14: {  	s13 =	simm.s32 $0x2;
	[sflag:s11] =	ssyncset.done $0x0  }
0x15: {  	s15 =	smul.u32 $0x28000, s12;
	s12 =	simm.s32 $0x280;
	[sflag:s11] =	ssyncadd.s32 $0xFFFF6000  }
0x16: {  	[tilespmem:s7], [sflag:$0x1] =	stream.indirect.gather [hbm4b:s5+s6], $0x80, s12, s6, $0xb8;
	[tilespmem:$0x14500] =	vst v63  }
0x17: {  	s15 =	sshrl.u32 s15, $0x3;
	_ =	swait.ge [sflag:s13], $0xA000  }
0x18: {  	s19 =	sadd.s32 s14, s15;
	[sflag:s13] =	ssyncset.done $0x0  }
0x19: {  	s14 =	simm.s32 $0x4;
	s15 =	sadd.s32 $0x1400, s19;
	[sflag:s13] =	ssyncadd.s32 $0xFFFF6000  }
0x1a: {  	[hbm4b:s15+s2] =	stream.linear.scatter [tilespmem:s8], [sflag:$0x4], $0xA000, $0x38;
	[tilespmem:$0x14500] =	vst v63  }
0x1b: {  	_ =	swait.ge [sflag:s14], $0xA000  }
0x1c: {  	[sflag:s14] =	ssyncset.done $0x0  }
0x1d: {  	s16 =	simm.s32 $0x3C0;
	[sflag:s14] =	ssyncadd.s32 $0xFFFF6000  }
0x1e: {  	[tilespmem:s8], [sflag:$0x2] =	stream.indirect.gather [hbm4b:s5+s6], $0x80, s16, s6, $0xb8;
	[tilespmem:$0x14500] =	vst v63  }
0x1f: {  	_ =	swait.ge [sflag:s9], $0xA000  }
0x20: {  	s20 =	ssub.s32 $0x2, s18;
	[sflag:s9] =	ssyncset.done $0x0  }
0x21: {  	s31 =	sshrl.u32 s20, $0x1;
	s17 =	sadd.s32 $0x2800, s19;
	[sflag:s9] =	ssyncadd.s32 $0xFFFF6000  }
0x22: {  	[hbm4b:s17+s2] =	stream.linear.scatter [tilespmem:s7], [sflag:$0x3], $0xA000, $0x38;
	[tilespmem:$0x14500] =	vst v63  }
0x23: {  	s18 =	sadd.s32 $0x3C00, s19;
	s19 =	ssub.s32 s20, s31;
	_ =	swait.ge [sflag:s13], $0xA000  }
0x24: {  	s19 =	smax.u32 s19, $0x1;
	[sflag:s13] =	ssyncset.done $0x0  }
0x25: {  	p0 =	sne.s32 s19, $0x1;
	[sflag:s13] =	ssyncadd.s32 $0xFFFF6000  }
0x26: {  	[hbm4b:s18+s2] =	stream.linear.scatter [tilespmem:s8], [sflag:$0x4], $0xA000, $0x38;
	[tilespmem:$0x14500] =	vst v63  }
.Ltmp0:
0x27: {  	_ =	swait.ge [sflag:s11], $0xA000;
	(pc) =	sbr.rel @!p0 .LBB2_2-.Ltmp0, $4  }
0x28: {  	[sflag:s11] =	ssyncset.done $0x0  }
0x29: {  	[sflag:s11] =	ssyncadd.s32 $0xFFFF6000  }
0x2a: {  	_ =	swait.ge [sflag:s14], $0xA000  }
0x2b: {  	s19 =	sadd.s32 $0xFFFFFFFF, s19;
	[sflag:s14] =	ssyncset.done $0x0  }
.LBB2_1:
0x2c: {  	p0 =	sne.s32 s19, $0x1;
	s19 =	sadd.s32 $0xFFFFFFFF, s19;
	[sflag:s14] =	ssyncadd.s32 $0xFFFF6000  }
0x2d: {  	[tilespmem:s2], [sflag:$0x5] =	stream.linear.gather [hbm4b:s3+s2], $0x500, $0x38;
	[tilespmem:$0x14500] =	vst v63  }
0x2e: {  	_ =	swait.ge [sflag:s4], $0x500  }
0x2f: {  	[sflag:s4] =	ssyncset.done $0x0  }
0x30: {  	[sflag:s4] =	ssyncadd.s32 $0xFFFFFB00  }
0x31: {  	[tilespmem:s7], [sflag:$0x1] =	stream.indirect.gather [hbm4b:s5+s6], $0x80, s2, s6, $0xb8;
	[tilespmem:$0x14500] =	vst v63  }
0x32: {  	_ = 	snop  }
0x33: {  	[tilespmem:s8], [sflag:$0x2] =	stream.indirect.gather [hbm4b:s5+s6], $0x80, s6, s6, $0xb8;
	[tilespmem:$0x14500] =	vst v63  }
0x34: {  	_ =	swait.ge [sflag:s9], $0xA000  }
0x35: {  	[sflag:s9] =	ssyncset.done $0x0  }
0x36: {  	[sflag:s9] =	ssyncadd.s32 $0xFFFF6000  }
0x37: {  	[hbm4b:s10+s2] =	stream.linear.scatter [tilespmem:s7], [sflag:$0x3], $0xA000, $0x38;
	[tilespmem:$0x14500] =	vst v63  }
0x38: {  	_ =	swait.ge [sflag:s11], $0xA000  }
0x39: {  	[sflag:s11] =	ssyncset.done $0x0  }
0x3a: {  	[sflag:s11] =	ssyncadd.s32 $0xFFFF6000  }
0x3b: {  	[tilespmem:s7], [sflag:$0x1] =	stream.indirect.gather [hbm4b:s5+s6], $0x80, s12, s6, $0xb8;
	[tilespmem:$0x14500] =	vst v63  }
0x3c: {  	_ =	swait.ge [sflag:s13], $0xA000  }
0x3d: {  	[sflag:s13] =	ssyncset.done $0x0  }
0x3e: {  	[sflag:s13] =	ssyncadd.s32 $0xFFFF6000  }
0x3f: {  	[hbm4b:s15+s2] =	stream.linear.scatter [tilespmem:s8], [sflag:$0x4], $0xA000, $0x38;
	[tilespmem:$0x14500] =	vst v63  }
0x40: {  	_ =	swait.ge [sflag:s14], $0xA000  }
0x41: {  	[sflag:s14] =	ssyncset.done $0x0  }
0x42: {  	[sflag:s14] =	ssyncadd.s32 $0xFFFF6000  }
0x43: {  	[tilespmem:s8], [sflag:$0x2] =	stream.indirect.gather [hbm4b:s5+s6], $0x80, s16, s6, $0xb8;
	[tilespmem:$0x14500] =	vst v63  }
0x44: {  	_ =	swait.ge [sflag:s9], $0xA000  }
0x45: {  	[sflag:s9] =	ssyncset.done $0x0  }
0x46: {  	[sflag:s9] =	ssyncadd.s32 $0xFFFF6000  }
0x47: {  	[hbm4b:s17+s2] =	stream.linear.scatter [tilespmem:s7], [sflag:$0x3], $0xA000, $0x38;
	[tilespmem:$0x14500] =	vst v63  }
0x48: {  	_ =	swait.ge [sflag:s13], $0xA000  }
0x49: {  	[sflag:s13] =	ssyncset.done $0x0  }
0x4a: {  	[sflag:s13] =	ssyncadd.s32 $0xFFFF6000  }
0x4b: {  	[hbm4b:s18+s2] =	stream.linear.scatter [tilespmem:s8], [sflag:$0x4], $0xA000, $0x38;
	[tilespmem:$0x14500] =	vst v63  }
.Ltmp1:
0x4c: {  	_ =	swait.ge [sflag:s11], $0xA000;
	(pc) =	sbr.rel @p0 .LBB2_1-.Ltmp1, $4  }
0x4d: {  	[sflag:s11] =	ssyncset.done $0x0  }
0x4e: {  	[sflag:s11] =	ssyncadd.s32 $0xFFFF6000  }
0x4f: {  	_ =	swait.ge [sflag:s14], $0xA000  }
0x50: {  	[sflag:s14] =	ssyncset.done $0x0  }
.LBB2_2:
0x51: {  	[sflag:s14] =	ssyncadd.s32 $0xFFFF6000  }
0x52: {  	_ =	sfence.sel $0x180000  }
0x53: {  	[bflag:$0x0] =	sbarrier.arrive $0xFFFF  }
0x54: {  	p0 =	sne.s32 s0, $0x0;
	_ =	strace $0x90000047  }
0x55: {  	s0 =	sadd.s32 @!p0 $0x100000, s1;
	[bflag:$0x2] =	sbarrier.arrive $0xFFFF  }
0x56: {  	[sflag:s0] =	ssyncadd.tile.s32 @!p0 $0x1;
	_ =	shalt  }
.Lfunc_end2:
_tile_overlayer_lowered:
.L_overlay_start_2:
0x57: {  	(tag) =	ssettag $0x2  }
0x58: {  	s0 =	rddreg [dreg:$0x0];
	s2 =	stileid.u32  }
0x59: {  	s1 =	rddreg [dreg:$0x1];
	p0 =	sne.s32 s2, $0x0  }
0x5a: {  	s3 =	rddreg [dreg:$0x2];
	[bflag:$0x3] =	sbarrier.arrive $0xFFFF;
	s2 =	simm.s32 @!p0 $0x1C05  }
0x5b: {  	[timem:s3], [sflag:s2] =	dma.local @!p0 [hbm:s0], s1  }
0x5c: {  	s0 =	simm.s32 @!p0 $0x5  }
0x5d: {  	_ =	swait.ge @!p0 [sflag:s0], s1  }
0x5e: {  	s1 =	ssub.s32 @!p0 $0x0, s1;
	[sflag:s0] =	ssyncset.done @!p0 $0x0  }
0x5f: {  	[sflag:s0] =	ssyncadd.s32 @!p0 s1  }
0x60: {  	[bflag:$0x3] =	sbarrier.arrive $0xFFFF  }
0x61: {  	_ =	shalt  }

</sc_bundles>
